<compile_context>
chip_gen: v7x
topology: tpu7x:2x2x1
jax: 0.10.2.dev20260603
libtpu: 0.0.44.dev20260713+nightly
codegen_flags: <defaults>
</compile_context>

<pallas_src>
import functools

import jax
import jax.numpy as jnp
import numpy as np
from jax import lax
from jax.experimental import pallas as pl
from jax.experimental.pallas import tpu as pltpu
from jax.experimental.pallas import tpu_sc as plsc

B = 1024
L = 200
D = 128
NC = 2
NS = 16
NW = NC * NS
ROWS_PER_W = B * L // NW
CH = 128
NCH = ROWS_PER_W // CH
LANES = 16


def _pos_encoding():
    pos = np.arange(L, dtype=np.float64)[:, None]
    i = np.arange(D // 2, dtype=np.float64)[None, :]
    angles = pos / np.power(10000.0, (2.0 * i) / D)
    pe = np.zeros((L, D), dtype=np.float32)
    pe[:, 0::2] = np.sin(angles)
    pe[:, 1::2] = np.cos(angles)
    return pe


_PE = _pos_encoding()


@functools.partial(
    pl.kernel,
    out_type=jax.ShapeDtypeStruct((NW, NCH, CH, D), jnp.float32),
    mesh=plsc.VectorSubcoreMesh(core_axis_name="c", subcore_axis_name="s"),
    scratch_types=[
        pltpu.VMEM((NCH, CH), jnp.int32),
        pltpu.VMEM((L, D), jnp.float32),
        pltpu.VMEM((CH, D), jnp.float32),
        pltpu.VMEM((CH, D), jnp.float32),
        pltpu.SemaphoreType.DMA,
        pltpu.SemaphoreType.DMA,
    ],
)
def _emb_lookup(seq_hbm, pe_hbm, table_hbm, out_hbm,
                idx_v, pe_v, buf0, buf1, sem0, sem1):
    w = lax.axis_index("s") * NC + lax.axis_index("c")

    pltpu.sync_copy(seq_hbm.at[w], idx_v)
    pltpu.sync_copy(pe_hbm, pe_v)

    pltpu.async_copy(table_hbm.at[idx_v.at[0]], buf0, sem0)
    pltpu.async_copy(table_hbm.at[idx_v.at[1]], buf1, sem1)

    def do_chunk(c, buf, sem):
        pltpu.make_async_copy(table_hbm.at[idx_v.at[c]], buf, sem).wait()
        l0 = lax.rem(c * CH, L)

        def row(i, carry):
            l = l0 + i
            l = jnp.where(l >= L, l - L, l)
            for j in range(D // LANES):
                sl = pl.ds(j * LANES, LANES)
                plsc.addupdate(buf.at[i, sl], pe_v[l, sl])
            return carry

        lax.fori_loop(0, CH, row, 0, unroll=2)
        pltpu.sync_copy(buf, out_hbm.at[w, c])

        nxt = c + 2

        @pl.when(nxt < NCH)
        def _():
            pltpu.async_copy(table_hbm.at[idx_v.at[nxt]], buf, sem)

    def outer(c2, carry):
        do_chunk(c2 * 2, buf0, sem0)
        do_chunk(c2 * 2 + 1, buf1, sem1)
        return carry

    lax.fori_loop(0, NCH // 2, outer, 0)


def kernel(sequence, token_table):
    seq3 = sequence.reshape(NW, NCH, CH)
    out = _emb_lookup(seq3, jnp.asarray(_PE), token_table)
    return out.reshape(B, L, D)

# --- scband reference (transcript-rebuilt; emitter-appended) ---
"""Pipeline reference for scband-bertembedding-77979426226623 (READ-ONLY COPY).

The authoritative reference and input builder live on the scoring server;
editing this copy changes nothing except your own understanding.
"""

import jax, jax.numpy as jnp
import numpy as np

VOCAB = 100000
D = 128
B = 1024
L = 200
INIT_W = 0.02

def _sinusoidal_pe(seq_len, d_model):
    pos = np.arange(seq_len, dtype=np.float64)[:, None]
    i = np.arange(d_model // 2, dtype=np.float64)[None, :]
    angles = pos / np.power(10000.0, (2.0 * i) / d_model)
    pe = np.zeros((seq_len, d_model), dtype=np.float32)
    pe[:, 0::2] = np.sin(angles)
    pe[:, 1::2] = np.cos(angles)
    return jnp.asarray(pe)

def setup_inputs(seed: int = 0) -> dict:
    key = jax.random.key(seed)
    k1, k2 = jax.random.split(key)
    sequence = jax.random.randint(k1, (B, L), 0, VOCAB, dtype=jnp.int64 if jax.config.jax_enable_x64 else jnp.int32).astype(jnp.int32)
    token_table = jax.random.normal(k2, (VOCAB, D), dtype=jnp.float32) * INIT_W
    return {"sequence": sequence, "token_table": token_table}

def reference(sequence, token_table):
    # TokenEmbedding: gather rows from the table (SparseCore-friendly gather)
    tok = jnp.take(token_table, sequence, axis=0)  # [B, L, D]
    # PositionalEmbedding: fixed sin/cos, broadcast over batch
    pe = _sinusoidal_pe(sequence.shape[1], token_table.shape[1])  # [L, D]
    x = tok + pe[None, :, :]
    # Dropout in eval mode is identity (deterministic reference)
    return x

if __name__ == "__main__":
    import jax
    _d = setup_inputs()
    print(jax.jit(kernel)(*tuple(_d.values())))

</pallas_src>

<mosaic_0001>
#map = affine_map<(d0, d1) -> (0, 0, 0)>
#map1 = affine_map<(d0, d1) -> (0, 0)>
#map2 = affine_map<(d0, d1) -> (0, 0, 0, 0)>
module attributes {stable_mosaic.version = 14 : i64} {
  func.func @_emb_lookup(%arg0: i32, %arg1: i32, %arg2: memref<32x50x128xi32, #tpu.memory_space<hbm>>, %arg3: memref<200x128xf32, #tpu.memory_space<hbm>>, %arg4: memref<100000x128xf32, #tpu.memory_space<hbm>>, %arg5: memref<32x50x128x128xf32, #tpu.memory_space<hbm>>, %arg6: memref<50x128xi32, #tpu.memory_space<vmem>>, %arg7: memref<200x128xf32, #tpu.memory_space<vmem>>, %arg8: memref<128x128xf32, #tpu.memory_space<vmem>>, %arg9: memref<128x128xf32, #tpu.memory_space<vmem>>, %arg10: memref<!tpu.dma_semaphore, #tpu.memory_space<semaphore_mem>>, %arg11: memref<!tpu.dma_semaphore, #tpu.memory_space<semaphore_mem>>) attributes {dimension_semantics = [#tpu.dimension_semantics<core_parallel>, #tpu.dimension_semantics<subcore_parallel>], iteration_bounds = array<i64: 2, 16>, scalar_prefetch = 0 : i64, scratch_operands = 6 : i64, tpu.core_type = #tpu.core_type<sc_vector_subcore>, window_params = [{transform_indices = #map}, {transform_indices = #map1}, {transform_indices = #map1}, {transform_indices = #map2}]} {
    %mul3A = arith.constant 2 : i32
    %mul3A_0 = arith.muli %arg1, %mul3A : i32
    %add3A = arith.addi %mul3A_0, %arg0 : i32
    "tpu.region"() ({
      %run_scoped3A = tpu.sem_alloc : memref<!tpu.dma_semaphore, #tpu.memory_space<semaphore_mem>>
      %dma_start3A_19 = arith.constant 0 : i32
      %dma_start3A_20 = arith.constant 0 : i32
      %dma_start3A_21 = tpu.memref_slice %arg2[%add3A, %dma_start3A_19, %dma_start3A_20] : memref<32x50x128xi32, #tpu.memory_space<hbm>> -> memref<1x50x128xi32, #tpu.memory_space<hbm>>
      %dma_start3A_22 = tpu.memref_squeeze %dma_start3A_21 : memref<1x50x128xi32, #tpu.memory_space<hbm>> -> memref<50x128xi32, #tpu.memory_space<hbm>>
      %dma_start3A_23 = arith.constant 0 : i32
      %dma_start3A_24 = arith.constant 0 : i32
      %dma_start3A_25 = tpu.memref_slice %arg2[%add3A, %dma_start3A_23, %dma_start3A_24] : memref<32x50x128xi32, #tpu.memory_space<hbm>> -> memref<1x50x128xi32, #tpu.memory_space<hbm>>
      %dma_start3A_26 = tpu.memref_squeeze %dma_start3A_25 : memref<1x50x128xi32, #tpu.memory_space<hbm>> -> memref<50x128xi32, #tpu.memory_space<hbm>>
      tpu.enqueue_dma source(%dma_start3A_26 : memref<50x128xi32, #tpu.memory_space<hbm>>) target(%arg6 : memref<50x128xi32, #tpu.memory_space<vmem>>) target_semaphore(%run_scoped3A : memref<!tpu.dma_semaphore, #tpu.memory_space<semaphore_mem>>)
      %dma_wait3A = arith.constant 0 : i32
      %dma_wait3A_27 = arith.constant 0 : i32
      %dma_wait3A_28 = tpu.memref_slice %arg2[%add3A, %dma_wait3A, %dma_wait3A_27] : memref<32x50x128xi32, #tpu.memory_space<hbm>> -> memref<1x50x128xi32, #tpu.memory_space<hbm>>
      %dma_wait3A_29 = tpu.memref_squeeze %dma_wait3A_28 : memref<1x50x128xi32, #tpu.memory_space<hbm>> -> memref<50x128xi32, #tpu.memory_space<hbm>>
      %dma_wait3A_30 = arith.constant 0 : i32
      %dma_wait3A_31 = arith.constant 0 : i32
      %dma_wait3A_32 = tpu.memref_slice %arg2[%add3A, %dma_wait3A_30, %dma_wait3A_31] : memref<32x50x128xi32, #tpu.memory_space<hbm>> -> memref<1x50x128xi32, #tpu.memory_space<hbm>>
      %dma_wait3A_33 = tpu.memref_squeeze %dma_wait3A_32 : memref<1x50x128xi32, #tpu.memory_space<hbm>> -> memref<50x128xi32, #tpu.memory_space<hbm>>
      tpu.wait_dma2 semaphore(%run_scoped3A : memref<!tpu.dma_semaphore, #tpu.memory_space<semaphore_mem>>) src(%dma_wait3A_33 : memref<50x128xi32, #tpu.memory_space<hbm>>) dst(%arg6 : memref<50x128xi32, #tpu.memory_space<vmem>>)
      tpu.yield
    }) : () -> ()
    "tpu.region"() ({
      %run_scoped3A = tpu.sem_alloc : memref<!tpu.dma_semaphore, #tpu.memory_space<semaphore_mem>>
      tpu.enqueue_dma source(%arg3 : memref<200x128xf32, #tpu.memory_space<hbm>>) target(%arg7 : memref<200x128xf32, #tpu.memory_space<vmem>>) target_semaphore(%run_scoped3A : memref<!tpu.dma_semaphore, #tpu.memory_space<semaphore_mem>>)
      tpu.wait_dma2 semaphore(%run_scoped3A : memref<!tpu.dma_semaphore, #tpu.memory_space<semaphore_mem>>) src(%arg3 : memref<200x128xf32, #tpu.memory_space<hbm>>) dst(%arg7 : memref<200x128xf32, #tpu.memory_space<vmem>>)
      tpu.yield
    }) : () -> ()
    %dma_start3A = arith.constant 0 : i32
    %dma_start3A_1 = arith.constant 0 : i32
    %dma_start3A_2 = tpu.memref_slice %arg6[%dma_start3A, %dma_start3A_1] : memref<50x128xi32, #tpu.memory_space<vmem>> -> memref<1x128xi32, #tpu.memory_space<vmem>>
    %dma_start3A_3 = tpu.memref_squeeze %dma_start3A_2 : memref<1x128xi32, #tpu.memory_space<vmem>> -> memref<128xi32, #tpu.memory_space<vmem>>
    %dma_start3A_4 = arith.constant 0 : i32
    %dma_start3A_5 = arith.constant 0 : i32
    %dma_start3A_6 = tpu.memref_slice %arg4[%dma_start3A_4, %dma_start3A_5] : memref<100000x128xf32, #tpu.memory_space<hbm>> -> memref<100000x128xf32, #tpu.memory_space<hbm>>
    tpu.enqueue_indirect_dma source(%dma_start3A_6 : memref<100000x128xf32, #tpu.memory_space<hbm>>) target(%arg8 : memref<128x128xf32, #tpu.memory_space<vmem>>) offsets(%dma_start3A_3 : memref<128xi32, #tpu.memory_space<vmem>>) semaphore(%arg10 : memref<!tpu.dma_semaphore, #tpu.memory_space<semaphore_mem>>)
    %dma_start3A_7 = arith.constant 1 : i32
    %dma_start3A_8 = arith.constant 0 : i32
    %dma_start3A_9 = tpu.memref_slice %arg6[%dma_start3A_7, %dma_start3A_8] : memref<50x128xi32, #tpu.memory_space<vmem>> -> memref<1x128xi32, #tpu.memory_space<vmem>>
    %dma_start3A_10 = tpu.memref_squeeze %dma_start3A_9 : memref<1x128xi32, #tpu.memory_space<vmem>> -> memref<128xi32, #tpu.memory_space<vmem>>
    %dma_start3A_11 = arith.constant 0 : i32
    %dma_start3A_12 = arith.constant 0 : i32
    %dma_start3A_13 = tpu.memref_slice %arg4[%dma_start3A_11, %dma_start3A_12] : memref<100000x128xf32, #tpu.memory_space<hbm>> -> memref<100000x128xf32, #tpu.memory_space<hbm>>
    tpu.enqueue_indirect_dma source(%dma_start3A_13 : memref<100000x128xf32, #tpu.memory_space<hbm>>) target(%arg9 : memref<128x128xf32, #tpu.memory_space<vmem>>) offsets(%dma_start3A_10 : memref<128xi32, #tpu.memory_space<vmem>>) semaphore(%arg11 : memref<!tpu.dma_semaphore, #tpu.memory_space<semaphore_mem>>)
    %scan3A = arith.constant 0 : i32
    %scan3A_14 = arith.constant 0 : i32
    %scan3A_15 = arith.constant 25 : i32
    %scan3A_16 = arith.addi %scan3A_14, %scan3A_15 : i32
    %scan3A_17 = arith.constant 1 : i32
    scf.for %scan3A_19 = %scan3A_14 to %scan3A_16 step %scan3A_17  : i32 {
      %mul3A_20 = arith.constant 2 : i32
      %mul3A_21 = arith.muli %scan3A_19, %mul3A_20 : i32
      %dma_wait3A = arith.constant 0 : i32
      %dma_wait3A_22 = tpu.memref_slice %arg6[%mul3A_21, %dma_wait3A] : memref<50x128xi32, #tpu.memory_space<vmem>> -> memref<1x128xi32, #tpu.memory_space<vmem>>
      %dma_wait3A_23 = tpu.memref_squeeze %dma_wait3A_22 : memref<1x128xi32, #tpu.memory_space<vmem>> -> memref<128xi32, #tpu.memory_space<vmem>>
      %dma_wait3A_24 = arith.constant 0 : i32
      %dma_wait3A_25 = arith.constant 0 : i32
      %dma_wait3A_26 = tpu.memref_slice %arg4[%dma_wait3A_24, %dma_wait3A_25] : memref<100000x128xf32, #tpu.memory_space<hbm>> -> memref<100000x128xf32, #tpu.memory_space<hbm>>
      tpu.wait_indirect_dma semaphore(%arg10 : memref<!tpu.dma_semaphore, #tpu.memory_space<semaphore_mem>>) src(%dma_wait3A_26 : memref<100000x128xf32, #tpu.memory_space<hbm>>) dst(%arg8 : memref<128x128xf32, #tpu.memory_space<vmem>>)
      %mul3A_27 = arith.constant 128 : i32
      %mul3A_28 = arith.muli %mul3A_21, %mul3A_27 : i32
      %rem3A = arith.constant 200 : i32
      %rem3A_29 = arith.remsi %mul3A_28, %rem3A : i32
      %scan3A_30 = arith.constant 0 : i32
      %scan3A_31 = arith.constant 0 : i32
      %scan3A_32 = arith.constant 128 : i32
      %scan3A_33 = arith.addi %scan3A_31, %scan3A_32 : i32
      %scan3A_34 = arith.constant 2 : i32
      scf.for %scan3A_67 = %scan3A_31 to %scan3A_33 step %scan3A_34  : i32 {
        %add3A_68 = arith.addi %rem3A_29, %scan3A_67 : i32
        %ge3A = arith.constant 200 : i32
        %ge3A_69 = arith.cmpi sge, %add3A_68, %ge3A : i32
        %sub3A = arith.constant 200 : i32
        %sub3A_70 = arith.subi %add3A_68, %sub3A : i32
        %select_n3A = arith.select %ge3A_69, %sub3A_70, %add3A_68 : i32
        %get3A = arith.index_cast %select_n3A : i32 to index
        %get3A_71 = arith.constant 0 : index
        %get3A_72 = tpu.vector_load %arg7[%get3A, %get3A_71] {strides = array<i32>} : memref<200x128xf32, #tpu.memory_space<vmem>>, vector<1x16xf32>,
        %get3A_73 = vector.shape_cast %get3A_72 : vector<1x16xf32> to vector<16xf32>
        %swap3A = arith.index_cast %scan3A_67 : i32 to index
        %swap3A_74 = arith.constant 0 : index
        %swap3A_75 = tpu.vector_load %arg8[%swap3A, %swap3A_74] {strides = array<i32>} : memref<128x128xf32, #tpu.memory_space<vmem>>, vector<1x16xf32>,
        %swap3A_76 = vector.shape_cast %swap3A_75 : vector<1x16xf32> to vector<16xf32>
        %swap3A_77 = vector.shape_cast %get3A_73 : vector<16xf32> to vector<1x16xf32>
        tpu.vector_store %arg8[%swap3A, %swap3A_74], %swap3A_77 {add = true, strides = array<i32>} : memref<128x128xf32, #tpu.memory_space<vmem>>, vector<1x16xf32>,
        %get3A_78 = arith.index_cast %select_n3A : i32 to index
        %get3A_79 = arith.constant 16 : index
        %get3A_80 = tpu.vector_load %arg7[%get3A_78, %get3A_79] {strides = array<i32>} : memref<200x128xf32, #tpu.memory_space<vmem>>, vector<1x16xf32>,
        %get3A_81 = vector.shape_cast %get3A_80 : vector<1x16xf32> to vector<16xf32>
        %swap3A_82 = arith.index_cast %scan3A_67 : i32 to index
        %swap3A_83 = arith.constant 16 : index
        %swap3A_84 = tpu.vector_load %arg8[%swap3A_82, %swap3A_83] {strides = array<i32>} : memref<128x128xf32, #tpu.memory_space<vmem>>, vector<1x16xf32>,
        %swap3A_85 = vector.shape_cast %swap3A_84 : vector<1x16xf32> to vector<16xf32>
        %swap3A_86 = vector.shape_cast %get3A_81 : vector<16xf32> to vector<1x16xf32>
        tpu.vector_store %arg8[%swap3A_82, %swap3A_83], %swap3A_86 {add = true, strides = array<i32>} : memref<128x128xf32, #tpu.memory_space<vmem>>, vector<1x16xf32>,
        %get3A_87 = arith.index_cast %select_n3A : i32 to index
        %get3A_88 = arith.constant 32 : index
        %get3A_89 = tpu.vector_load %arg7[%get3A_87, %get3A_88] {strides = array<i32>} : memref<200x128xf32, #tpu.memory_space<vmem>>, vector<1x16xf32>,
        %get3A_90 = vector.shape_cast %get3A_89 : vector<1x16xf32> to vector<16xf32>
        %swap3A_91 = arith.index_cast %scan3A_67 : i32 to index
        %swap3A_92 = arith.constant 32 : index
        %swap3A_93 = tpu.vector_load %arg8[%swap3A_91, %swap3A_92] {strides = array<i32>} : memref<128x128xf32, #tpu.memory_space<vmem>>, vector<1x16xf32>,
        %swap3A_94 = vector.shape_cast %swap3A_93 : vector<1x16xf32> to vector<16xf32>
        %swap3A_95 = vector.shape_cast %get3A_90 : vector<16xf32> to vector<1x16xf32>
        tpu.vector_store %arg8[%swap3A_91, %swap3A_92], %swap3A_95 {add = true, strides = array<i32>} : memref<128x128xf32, #tpu.memory_space<vmem>>, vector<1x16xf32>,
        %get3A_96 = arith.index_cast %select_n3A : i32 to index
        %get3A_97 = arith.constant 48 : index
        %get3A_98 = tpu.vector_load %arg7[%get3A_96, %get3A_97] {strides = array<i32>} : memref<200x128xf32, #tpu.memory_space<vmem>>, vector<1x16xf32>,
        %get3A_99 = vector.shape_cast %get3A_98 : vector<1x16xf32> to vector<16xf32>
        %swap3A_100 = arith.index_cast %scan3A_67 : i32 to index
        %swap3A_101 = arith.constant 48 : index
        %swap3A_102 = tpu.vector_load %arg8[%swap3A_100, %swap3A_101] {strides = array<i32>} : memref<128x128xf32, #tpu.memory_space<vmem>>, vector<1x16xf32>,
        %swap3A_103 = vector.shape_cast %swap3A_102 : vector<1x16xf32> to vector<16xf32>
        %swap3A_104 = vector.shape_cast %get3A_99 : vector<16xf32> to vector<1x16xf32>
        tpu.vector_store %arg8[%swap3A_100, %swap3A_101], %swap3A_104 {add = true, strides = array<i32>} : memref<128x128xf32, #tpu.memory_space<vmem>>, vector<1x16xf32>,
        %get3A_105 = arith.index_cast %select_n3A : i32 to index
        %get3A_106 = arith.constant 64 : index
        %get3A_107 = tpu.vector_load %arg7[%get3A_105, %get3A_106] {strides = array<i32>} : memref<200x128xf32, #tpu.memory_space<vmem>>, vector<1x16xf32>,
        %get3A_108 = vector.shape_cast %get3A_107 : vector<1x16xf32> to vector<16xf32>
        %swap3A_109 = arith.index_cast %scan3A_67 : i32 to index
        %swap3A_110 = arith.constant 64 : index
        %swap3A_111 = tpu.vector_load %arg8[%swap3A_109, %swap3A_110] {strides = array<i32>} : memref<128x128xf32, #tpu.memory_space<vmem>>, vector<1x16xf32>,
        %swap3A_112 = vector.shape_cast %swap3A_111 : vector<1x16xf32> to vector<16xf32>
        %swap3A_113 = vector.shape_cast %get3A_108 : vector<16xf32> to vector<1x16xf32>
        tpu.vector_store %arg8[%swap3A_109, %swap3A_110], %swap3A_113 {add = true, strides = array<i32>} : memref<128x128xf32, #tpu.memory_space<vmem>>, vector<1x16xf32>,
        %get3A_114 = arith.index_cast %select_n3A : i32 to index
        %get3A_115 = arith.constant 80 : index
        %get3A_116 = tpu.vector_load %arg7[%get3A_114, %get3A_115] {strides = array<i32>} : memref<200x128xf32, #tpu.memory_space<vmem>>, vector<1x16xf32>,
        %get3A_117 = vector.shape_cast %get3A_116 : vector<1x16xf32> to vector<16xf32>
        %swap3A_118 = arith.index_cast %scan3A_67 : i32 to index
        %swap3A_119 = arith.constant 80 : index
        %swap3A_120 = tpu.vector_load %arg8[%swap3A_118, %swap3A_119] {strides = array<i32>} : memref<128x128xf32, #tpu.memory_space<vmem>>, vector<1x16xf32>,
        %swap3A_121 = vector.shape_cast %swap3A_120 : vector<1x16xf32> to vector<16xf32>
        %swap3A_122 = vector.shape_cast %get3A_117 : vector<16xf32> to vector<1x16xf32>
        tpu.vector_store %arg8[%swap3A_118, %swap3A_119], %swap3A_122 {add = true, strides = array<i32>} : memref<128x128xf32, #tpu.memory_space<vmem>>, vector<1x16xf32>,
        %get3A_123 = arith.index_cast %select_n3A : i32 to index
        %get3A_124 = arith.constant 96 : index
        %get3A_125 = tpu.vector_load %arg7[%get3A_123, %get3A_124] {strides = array<i32>} : memref<200x128xf32, #tpu.memory_space<vmem>>, vector<1x16xf32>,
        %get3A_126 = vector.shape_cast %get3A_125 : vector<1x16xf32> to vector<16xf32>
        %swap3A_127 = arith.index_cast %scan3A_67 : i32 to index
        %swap3A_128 = arith.constant 96 : index
        %swap3A_129 = tpu.vector_load %arg8[%swap3A_127, %swap3A_128] {strides = array<i32>} : memref<128x128xf32, #tpu.memory_space<vmem>>, vector<1x16xf32>,
        %swap3A_130 = vector.shape_cast %swap3A_129 : vector<1x16xf32> to vector<16xf32>
        %swap3A_131 = vector.shape_cast %get3A_126 : vector<16xf32> to vector<1x16xf32>
        tpu.vector_store %arg8[%swap3A_127, %swap3A_128], %swap3A_131 {add = true, strides = array<i32>} : memref<128x128xf32, #tpu.memory_space<vmem>>, vector<1x16xf32>,
        %get3A_132 = arith.index_cast %select_n3A : i32 to index
        %get3A_133 = arith.constant 112 : index
        %get3A_134 = tpu.vector_load %arg7[%get3A_132, %get3A_133] {strides = array<i32>} : memref<200x128xf32, #tpu.memory_space<vmem>>, vector<1x16xf32>,
        %get3A_135 = vector.shape_cast %get3A_134 : vector<1x16xf32> to vector<16xf32>
        %swap3A_136 = arith.index_cast %scan3A_67 : i32 to index
        %swap3A_137 = arith.constant 112 : index
        %swap3A_138 = tpu.vector_load %arg8[%swap3A_136, %swap3A_137] {strides = array<i32>} : memref<128x128xf32, #tpu.memory_space<vmem>>, vector<1x16xf32>,
        %swap3A_139 = vector.shape_cast %swap3A_138 : vector<1x16xf32> to vector<16xf32>
        %swap3A_140 = vector.shape_cast %get3A_135 : vector<16xf32> to vector<1x16xf32>
        tpu.vector_store %arg8[%swap3A_136, %swap3A_137], %swap3A_140 {add = true, strides = array<i32>} : memref<128x128xf32, #tpu.memory_space<vmem>>, vector<1x16xf32>,
        %scan3A_141 = arith.constant 1 : i32
        %scan3A_142 = arith.addi %scan3A_67, %scan3A_141 : i32
        %add3A_143 = arith.addi %rem3A_29, %scan3A_142 : i32
        %ge3A_144 = arith.constant 200 : i32
        %ge3A_145 = arith.cmpi sge, %add3A_143, %ge3A_144 : i32
        %sub3A_146 = arith.constant 200 : i32
        %sub3A_147 = arith.subi %add3A_143, %sub3A_146 : i32
        %select_n3A_148 = arith.select %ge3A_145, %sub3A_147, %add3A_143 : i32
        %get3A_149 = arith.index_cast %select_n3A_148 : i32 to index
        %get3A_150 = arith.constant 0 : index
        %get3A_151 = tpu.vector_load %arg7[%get3A_149, %get3A_150] {strides = array<i32>} : memref<200x128xf32, #tpu.memory_space<vmem>>, vector<1x16xf32>,
        %get3A_152 = vector.shape_cast %get3A_151 : vector<1x16xf32> to vector<16xf32>
        %swap3A_153 = arith.index_cast %scan3A_142 : i32 to index
        %swap3A_154 = arith.constant 0 : index
        %swap3A_155 = tpu.vector_load %arg8[%swap3A_153, %swap3A_154] {strides = array<i32>} : memref<128x128xf32, #tpu.memory_space<vmem>>, vector<1x16xf32>,
        %swap3A_156 = vector.shape_cast %swap3A_155 : vector<1x16xf32> to vector<16xf32>
        %swap3A_157 = vector.shape_cast %get3A_152 : vector<16xf32> to vector<1x16xf32>
        tpu.vector_store %arg8[%swap3A_153, %swap3A_154], %swap3A_157 {add = true, strides = array<i32>} : memref<128x128xf32, #tpu.memory_space<vmem>>, vector<1x16xf32>,
        %get3A_158 = arith.index_cast %select_n3A_148 : i32 to index
        %get3A_159 = arith.constant 16 : index
        %get3A_160 = tpu.vector_load %arg7[%get3A_158, %get3A_159] {strides = array<i32>} : memref<200x128xf32, #tpu.memory_space<vmem>>, vector<1x16xf32>,
        %get3A_161 = vector.shape_cast %get3A_160 : vector<1x16xf32> to vector<16xf32>
        %swap3A_162 = arith.index_cast %scan3A_142 : i32 to index
        %swap3A_163 = arith.constant 16 : index
        %swap3A_164 = tpu.vector_load %arg8[%swap3A_162, %swap3A_163] {strides = array<i32>} : memref<128x128xf32, #tpu.memory_space<vmem>>, vector<1x16xf32>,
        %swap3A_165 = vector.shape_cast %swap3A_164 : vector<1x16xf32> to vector<16xf32>
        %swap3A_166 = vector.shape_cast %get3A_161 : vector<16xf32> to vector<1x16xf32>
        tpu.vector_store %arg8[%swap3A_162, %swap3A_163], %swap3A_166 {add = true, strides = array<i32>} : memref<128x128xf32, #tpu.memory_space<vmem>>, vector<1x16xf32>,
        %get3A_167 = arith.index_cast %select_n3A_148 : i32 to index
        %get3A_168 = arith.constant 32 : index
        %get3A_169 = tpu.vector_load %arg7[%get3A_167, %get3A_168] {strides = array<i32>} : memref<200x128xf32, #tpu.memory_space<vmem>>, vector<1x16xf32>,
        %get3A_170 = vector.shape_cast %get3A_169 : vector<1x16xf32> to vector<16xf32>
        %swap3A_171 = arith.index_cast %scan3A_142 : i32 to index
        %swap3A_172 = arith.constant 32 : index
        %swap3A_173 = tpu.vector_load %arg8[%swap3A_171, %swap3A_172] {strides = array<i32>} : memref<128x128xf32, #tpu.memory_space<vmem>>, vector<1x16xf32>,
        %swap3A_174 = vector.shape_cast %swap3A_173 : vector<1x16xf32> to vector<16xf32>
        %swap3A_175 = vector.shape_cast %get3A_170 : vector<16xf32> to vector<1x16xf32>
        tpu.vector_store %arg8[%swap3A_171, %swap3A_172], %swap3A_175 {add = true, strides = array<i32>} : memref<128x128xf32, #tpu.memory_space<vmem>>, vector<1x16xf32>,
        %get3A_176 = arith.index_cast %select_n3A_148 : i32 to index
        %get3A_177 = arith.constant 48 : index
        %get3A_178 = tpu.vector_load %arg7[%get3A_176, %get3A_177] {strides = array<i32>} : memref<200x128xf32, #tpu.memory_space<vmem>>, vector<1x16xf32>,
        %get3A_179 = vector.shape_cast %get3A_178 : vector<1x16xf32> to vector<16xf32>
        %swap3A_180 = arith.index_cast %scan3A_142 : i32 to index
        %swap3A_181 = arith.constant 48 : index
        %swap3A_182 = tpu.vector_load %arg8[%swap3A_180, %swap3A_181] {strides = array<i32>} : memref<128x128xf32, #tpu.memory_space<vmem>>, vector<1x16xf32>,
        %swap3A_183 = vector.shape_cast %swap3A_182 : vector<1x16xf32> to vector<16xf32>
        %swap3A_184 = vector.shape_cast %get3A_179 : vector<16xf32> to vector<1x16xf32>
        tpu.vector_store %arg8[%swap3A_180, %swap3A_181], %swap3A_184 {add = true, strides = array<i32>} : memref<128x128xf32, #tpu.memory_space<vmem>>, vector<1x16xf32>,
        %get3A_185 = arith.index_cast %select_n3A_148 : i32 to index
        %get3A_186 = arith.constant 64 : index
        %get3A_187 = tpu.vector_load %arg7[%get3A_185, %get3A_186] {strides = array<i32>} : memref<200x128xf32, #tpu.memory_space<vmem>>, vector<1x16xf32>,
        %get3A_188 = vector.shape_cast %get3A_187 : vector<1x16xf32> to vector<16xf32>
        %swap3A_189 = arith.index_cast %scan3A_142 : i32 to index
        %swap3A_190 = arith.constant 64 : index
        %swap3A_191 = tpu.vector_load %arg8[%swap3A_189, %swap3A_190] {strides = array<i32>} : memref<128x128xf32, #tpu.memory_space<vmem>>, vector<1x16xf32>,
        %swap3A_192 = vector.shape_cast %swap3A_191 : vector<1x16xf32> to vector<16xf32>
        %swap3A_193 = vector.shape_cast %get3A_188 : vector<16xf32> to vector<1x16xf32>
        tpu.vector_store %arg8[%swap3A_189, %swap3A_190], %swap3A_193 {add = true, strides = array<i32>} : memref<128x128xf32, #tpu.memory_space<vmem>>, vector<1x16xf32>,
        %get3A_194 = arith.index_cast %select_n3A_148 : i32 to index
        %get3A_195 = arith.constant 80 : index
        %get3A_196 = tpu.vector_load %arg7[%get3A_194, %get3A_195] {strides = array<i32>} : memref<200x128xf32, #tpu.memory_space<vmem>>, vector<1x16xf32>,
        %get3A_197 = vector.shape_cast %get3A_196 : vector<1x16xf32> to vector<16xf32>
        %swap3A_198 = arith.index_cast %scan3A_142 : i32 to index
        %swap3A_199 = arith.constant 80 : index
        %swap3A_200 = tpu.vector_load %arg8[%swap3A_198, %swap3A_199] {strides = array<i32>} : memref<128x128xf32, #tpu.memory_space<vmem>>, vector<1x16xf32>,
        %swap3A_201 = vector.shape_cast %swap3A_200 : vector<1x16xf32> to vector<16xf32>
        %swap3A_202 = vector.shape_cast %get3A_197 : vector<16xf32> to vector<1x16xf32>
        tpu.vector_store %arg8[%swap3A_198, %swap3A_199], %swap3A_202 {add = true, strides = array<i32>} : memref<128x128xf32, #tpu.memory_space<vmem>>, vector<1x16xf32>,
        %get3A_203 = arith.index_cast %select_n3A_148 : i32 to index
        %get3A_204 = arith.constant 96 : index
        %get3A_205 = tpu.vector_load %arg7[%get3A_203, %get3A_204] {strides = array<i32>} : memref<200x128xf32, #tpu.memory_space<vmem>>, vector<1x16xf32>,
        %get3A_206 = vector.shape_cast %get3A_205 : vector<1x16xf32> to vector<16xf32>
        %swap3A_207 = arith.index_cast %scan3A_142 : i32 to index
        %swap3A_208 = arith.constant 96 : index
        %swap3A_209 = tpu.vector_load %arg8[%swap3A_207, %swap3A_208] {strides = array<i32>} : memref<128x128xf32, #tpu.memory_space<vmem>>, vector<1x16xf32>,
        %swap3A_210 = vector.shape_cast %swap3A_209 : vector<1x16xf32> to vector<16xf32>
        %swap3A_211 = vector.shape_cast %get3A_206 : vector<16xf32> to vector<1x16xf32>
        tpu.vector_store %arg8[%swap3A_207, %swap3A_208], %swap3A_211 {add = true, strides = array<i32>} : memref<128x128xf32, #tpu.memory_space<vmem>>, vector<1x16xf32>,
        %get3A_212 = arith.index_cast %select_n3A_148 : i32 to index
        %get3A_213 = arith.constant 112 : index
        %get3A_214 = tpu.vector_load %arg7[%get3A_212, %get3A_213] {strides = array<i32>} : memref<200x128xf32, #tpu.memory_space<vmem>>, vector<1x16xf32>,
        %get3A_215 = vector.shape_cast %get3A_214 : vector<1x16xf32> to vector<16xf32>
        %swap3A_216 = arith.index_cast %scan3A_142 : i32 to index
        %swap3A_217 = arith.constant 112 : index
        %swap3A_218 = tpu.vector_load %arg8[%swap3A_216, %swap3A_217] {strides = array<i32>} : memref<128x128xf32, #tpu.memory_space<vmem>>, vector<1x16xf32>,
        %swap3A_219 = vector.shape_cast %swap3A_218 : vector<1x16xf32> to vector<16xf32>
        %swap3A_220 = vector.shape_cast %get3A_215 : vector<16xf32> to vector<1x16xf32>
        tpu.vector_store %arg8[%swap3A_216, %swap3A_217], %swap3A_220 {add = true, strides = array<i32>} : memref<128x128xf32, #tpu.memory_space<vmem>>, vector<1x16xf32>,
      }
      %scan3A_35 = arith.constant 128 : i32
      "tpu.region"() ({
        %run_scoped3A = tpu.sem_alloc : memref<!tpu.dma_semaphore, #tpu.memory_space<semaphore_mem>>
        %dma_start3A_67 = arith.constant 0 : i32
        %dma_start3A_68 = arith.constant 0 : i32
        %dma_start3A_69 = tpu.memref_slice %arg5[%add3A, %mul3A_21, %dma_start3A_67, %dma_start3A_68] : memref<32x50x128x128xf32, #tpu.memory_space<hbm>> -> memref<1x1x128x128xf32, #tpu.memory_space<hbm>>
        %dma_start3A_70 = tpu.memref_squeeze %dma_start3A_69 : memref<1x1x128x128xf32, #tpu.memory_space<hbm>> -> memref<128x128xf32, #tpu.memory_space<hbm>>
        %dma_start3A_71 = arith.constant 0 : i32
        %dma_start3A_72 = arith.constant 0 : i32
        %dma_start3A_73 = tpu.memref_slice %arg5[%add3A, %mul3A_21, %dma_start3A_71, %dma_start3A_72] : memref<32x50x128x128xf32, #tpu.memory_space<hbm>> -> memref<1x1x128x128xf32, #tpu.memory_space<hbm>>
        %dma_start3A_74 = tpu.memref_squeeze %dma_start3A_73 : memref<1x1x128x128xf32, #tpu.memory_space<hbm>> -> memref<128x128xf32, #tpu.memory_space<hbm>>
        tpu.enqueue_dma source(%arg8 : memref<128x128xf32, #tpu.memory_space<vmem>>) target(%dma_start3A_74 : memref<128x128xf32, #tpu.memory_space<hbm>>) target_semaphore(%run_scoped3A : memref<!tpu.dma_semaphore, #tpu.memory_space<semaphore_mem>>)
        %dma_wait3A_75 = arith.constant 0 : i32
        %dma_wait3A_76 = arith.constant 0 : i32
        %dma_wait3A_77 = tpu.memref_slice %arg5[%add3A, %mul3A_21, %dma_wait3A_75, %dma_wait3A_76] : memref<32x50x128x128xf32, #tpu.memory_space<hbm>> -> memref<1x1x128x128xf32, #tpu.memory_space<hbm>>
        %dma_wait3A_78 = tpu.memref_squeeze %dma_wait3A_77 : memref<1x1x128x128xf32, #tpu.memory_space<hbm>> -> memref<128x128xf32, #tpu.memory_space<hbm>>
        %dma_wait3A_79 = arith.constant 0 : i32
        %dma_wait3A_80 = arith.constant 0 : i32
        %dma_wait3A_81 = tpu.memref_slice %arg5[%add3A, %mul3A_21, %dma_wait3A_79, %dma_wait3A_80] : memref<32x50x128x128xf32, #tpu.memory_space<hbm>> -> memref<1x1x128x128xf32, #tpu.memory_space<hbm>>
        %dma_wait3A_82 = tpu.memref_squeeze %dma_wait3A_81 : memref<1x1x128x128xf32, #tpu.memory_space<hbm>> -> memref<128x128xf32, #tpu.memory_space<hbm>>
        tpu.wait_dma2 semaphore(%run_scoped3A : memref<!tpu.dma_semaphore, #tpu.memory_space<semaphore_mem>>) src(%arg8 : memref<128x128xf32, #tpu.memory_space<vmem>>) dst(%dma_wait3A_82 : memref<128x128xf32, #tpu.memory_space<hbm>>)
        tpu.yield
      }) : () -> ()
      %add3A_36 = arith.constant 2 : i32
      %add3A_37 = arith.addi %mul3A_21, %add3A_36 : i32
      %lt3A = arith.constant 50 : i32
      %lt3A_38 = arith.cmpi slt, %add3A_37, %lt3A : i32
      %convert_element_type3A = arith.extui %lt3A_38 : i1 to i32
      %cond3A = arith.constant 0 : i32
      %cond3A_39 = arith.cmpi ne, %convert_element_type3A, %cond3A : i32
      scf.if %cond3A_39 {
        %dma_start3A_67 = arith.constant 0 : i32
        %dma_start3A_68 = tpu.memref_slice %arg6[%add3A_37, %dma_start3A_67] : memref<50x128xi32, #tpu.memory_space<vmem>> -> memref<1x128xi32, #tpu.memory_space<vmem>>
        %dma_start3A_69 = tpu.memref_squeeze %dma_start3A_68 : memref<1x128xi32, #tpu.memory_space<vmem>> -> memref<128xi32, #tpu.memory_space<vmem>>
        %dma_start3A_70 = arith.constant 0 : i32
        %dma_start3A_71 = arith.constant 0 : i32
        %dma_start3A_72 = tpu.memref_slice %arg4[%dma_start3A_70, %dma_start3A_71] : memref<100000x128xf32, #tpu.memory_space<hbm>> -> memref<100000x128xf32, #tpu.memory_space<hbm>>
        tpu.enqueue_indirect_dma source(%dma_start3A_72 : memref<100000x128xf32, #tpu.memory_space<hbm>>) target(%arg8 : memref<128x128xf32, #tpu.memory_space<vmem>>) offsets(%dma_start3A_69 : memref<128xi32, #tpu.memory_space<vmem>>) semaphore(%arg10 : memref<!tpu.dma_semaphore, #tpu.memory_space<semaphore_mem>>)
      } else {
      }
      %mul3A_40 = arith.constant 2 : i32
      %mul3A_41 = arith.muli %scan3A_19, %mul3A_40 : i32
      %add3A_42 = arith.constant 1 : i32
      %add3A_43 = arith.addi %mul3A_41, %add3A_42 : i32
      %dma_wait3A_44 = arith.constant 0 : i32
      %dma_wait3A_45 = tpu.memref_slice %arg6[%add3A_43, %dma_wait3A_44] : memref<50x128xi32, #tpu.memory_space<vmem>> -> memref<1x128xi32, #tpu.memory_space<vmem>>
      %dma_wait3A_46 = tpu.memref_squeeze %dma_wait3A_45 : memref<1x128xi32, #tpu.memory_space<vmem>> -> memref<128xi32, #tpu.memory_space<vmem>>
      %dma_wait3A_47 = arith.constant 0 : i32
      %dma_wait3A_48 = arith.constant 0 : i32
      %dma_wait3A_49 = tpu.memref_slice %arg4[%dma_wait3A_47, %dma_wait3A_48] : memref<100000x128xf32, #tpu.memory_space<hbm>> -> memref<100000x128xf32, #tpu.memory_space<hbm>>
      tpu.wait_indirect_dma semaphore(%arg11 : memref<!tpu.dma_semaphore, #tpu.memory_space<semaphore_mem>>) src(%dma_wait3A_49 : memref<100000x128xf32, #tpu.memory_space<hbm>>) dst(%arg9 : memref<128x128xf32, #tpu.memory_space<vmem>>)
      %mul3A_50 = arith.constant 128 : i32
      %mul3A_51 = arith.muli %add3A_43, %mul3A_50 : i32
      %rem3A_52 = arith.constant 200 : i32
      %rem3A_53 = arith.remsi %mul3A_51, %rem3A_52 : i32
      %scan3A_54 = arith.constant 0 : i32
      %scan3A_55 = arith.constant 0 : i32
      %scan3A_56 = arith.constant 128 : i32
      %scan3A_57 = arith.addi %scan3A_55, %scan3A_56 : i32
      %scan3A_58 = arith.constant 2 : i32
      scf.for %scan3A_67 = %scan3A_55 to %scan3A_57 step %scan3A_58  : i32 {
        %add3A_68 = arith.addi %rem3A_53, %scan3A_67 : i32
        %ge3A = arith.constant 200 : i32
        %ge3A_69 = arith.cmpi sge, %add3A_68, %ge3A : i32
        %sub3A = arith.constant 200 : i32
        %sub3A_70 = arith.subi %add3A_68, %sub3A : i32
        %select_n3A = arith.select %ge3A_69, %sub3A_70, %add3A_68 : i32
        %get3A = arith.index_cast %select_n3A : i32 to index
        %get3A_71 = arith.constant 0 : index
        %get3A_72 = tpu.vector_load %arg7[%get3A, %get3A_71] {strides = array<i32>} : memref<200x128xf32, #tpu.memory_space<vmem>>, vector<1x16xf32>,
        %get3A_73 = vector.shape_cast %get3A_72 : vector<1x16xf32> to vector<16xf32>
        %swap3A = arith.index_cast %scan3A_67 : i32 to index
        %swap3A_74 = arith.constant 0 : index
        %swap3A_75 = tpu.vector_load %arg9[%swap3A, %swap3A_74] {strides = array<i32>} : memref<128x128xf32, #tpu.memory_space<vmem>>, vector<1x16xf32>,
        %swap3A_76 = vector.shape_cast %swap3A_75 : vector<1x16xf32> to vector<16xf32>
        %swap3A_77 = vector.shape_cast %get3A_73 : vector<16xf32> to vector<1x16xf32>
        tpu.vector_store %arg9[%swap3A, %swap3A_74], %swap3A_77 {add = true, strides = array<i32>} : memref<128x128xf32, #tpu.memory_space<vmem>>, vector<1x16xf32>,
        %get3A_78 = arith.index_cast %select_n3A : i32 to index
        %get3A_79 = arith.constant 16 : index
        %get3A_80 = tpu.vector_load %arg7[%get3A_78, %get3A_79] {strides = array<i32>} : memref<200x128xf32, #tpu.memory_space<vmem>>, vector<1x16xf32>,
        %get3A_81 = vector.shape_cast %get3A_80 : vector<1x16xf32> to vector<16xf32>
        %swap3A_82 = arith.index_cast %scan3A_67 : i32 to index
        %swap3A_83 = arith.constant 16 : index
        %swap3A_84 = tpu.vector_load %arg9[%swap3A_82, %swap3A_83] {strides = array<i32>} : memref<128x128xf32, #tpu.memory_space<vmem>>, vector<1x16xf32>,
        %swap3A_85 = vector.shape_cast %swap3A_84 : vector<1x16xf32> to vector<16xf32>
        %swap3A_86 = vector.shape_cast %get3A_81 : vector<16xf32> to vector<1x16xf32>
        tpu.vector_store %arg9[%swap3A_82, %swap3A_83], %swap3A_86 {add = true, strides = array<i32>} : memref<128x128xf32, #tpu.memory_space<vmem>>, vector<1x16xf32>,
        %get3A_87 = arith.index_cast %select_n3A : i32 to index
        %get3A_88 = arith.constant 32 : index
        %get3A_89 = tpu.vector_load %arg7[%get3A_87, %get3A_88] {strides = array<i32>} : memref<200x128xf32, #tpu.memory_space<vmem>>, vector<1x16xf32>,
        %get3A_90 = vector.shape_cast %get3A_89 : vector<1x16xf32> to vector<16xf32>
        %swap3A_91 = arith.index_cast %scan3A_67 : i32 to index
        %swap3A_92 = arith.constant 32 : index
        %swap3A_93 = tpu.vector_load %arg9[%swap3A_91, %swap3A_92] {strides = array<i32>} : memref<128x128xf32, #tpu.memory_space<vmem>>, vector<1x16xf32>,
        %swap3A_94 = vector.shape_cast %swap3A_93 : vector<1x16xf32> to vector<16xf32>
        %swap3A_95 = vector.shape_cast %get3A_90 : vector<16xf32> to vector<1x16xf32>
        tpu.vector_store %arg9[%swap3A_91, %swap3A_92], %swap3A_95 {add = true, strides = array<i32>} : memref<128x128xf32, #tpu.memory_space<vmem>>, vector<1x16xf32>,
        %get3A_96 = arith.index_cast %select_n3A : i32 to index
        %get3A_97 = arith.constant 48 : index
        %get3A_98 = tpu.vector_load %arg7[%get3A_96, %get3A_97] {strides = array<i32>} : memref<200x128xf32, #tpu.memory_space<vmem>>, vector<1x16xf32>,
        %get3A_99 = vector.shape_cast %get3A_98 : vector<1x16xf32> to vector<16xf32>
        %swap3A_100 = arith.index_cast %scan3A_67 : i32 to index
        %swap3A_101 = arith.constant 48 : index
        %swap3A_102 = tpu.vector_load %arg9[%swap3A_100, %swap3A_101] {strides = array<i32>} : memref<128x128xf32, #tpu.memory_space<vmem>>, vector<1x16xf32>,
        %swap3A_103 = vector.shape_cast %swap3A_102 : vector<1x16xf32> to vector<16xf32>
        %swap3A_104 = vector.shape_cast %get3A_99 : vector<16xf32> to vector<1x16xf32>
        tpu.vector_store %arg9[%swap3A_100, %swap3A_101], %swap3A_104 {add = true, strides = array<i32>} : memref<128x128xf32, #tpu.memory_space<vmem>>, vector<1x16xf32>,
        %get3A_105 = arith.index_cast %select_n3A : i32 to index
        %get3A_106 = arith.constant 64 : index
        %get3A_107 = tpu.vector_load %arg7[%get3A_105, %get3A_106] {strides = array<i32>} : memref<200x128xf32, #tpu.memory_space<vmem>>, vector<1x16xf32>,
        %get3A_108 = vector.shape_cast %get3A_107 : vector<1x16xf32> to vector<16xf32>
        %swap3A_109 = arith.index_cast %scan3A_67 : i32 to index
        %swap3A_110 = arith.constant 64 : index
        %swap3A_111 = tpu.vector_load %arg9[%swap3A_109, %swap3A_110] {strides = array<i32>} : memref<128x128xf32, #tpu.memory_space<vmem>>, vector<1x16xf32>,
        %swap3A_112 = vector.shape_cast %swap3A_111 : vector<1x16xf32> to vector<16xf32>
        %swap3A_113 = vector.shape_cast %get3A_108 : vector<16xf32> to vector<1x16xf32>
        tpu.vector_store %arg9[%swap3A_109, %swap3A_110], %swap3A_113 {add = true, strides = array<i32>} : memref<128x128xf32, #tpu.memory_space<vmem>>, vector<1x16xf32>,
        %get3A_114 = arith.index_cast %select_n3A : i32 to index
        %get3A_115 = arith.constant 80 : index
        %get3A_116 = tpu.vector_load %arg7[%get3A_114, %get3A_115] {strides = array<i32>} : memref<200x128xf32, #tpu.memory_space<vmem>>, vector<1x16xf32>,
        %get3A_117 = vector.shape_cast %get3A_116 : vector<1x16xf32> to vector<16xf32>
        %swap3A_118 = arith.index_cast %scan3A_67 : i32 to index
        %swap3A_119 = arith.constant 80 : index
        %swap3A_120 = tpu.vector_load %arg9[%swap3A_118, %swap3A_119] {strides = array<i32>} : memref<128x128xf32, #tpu.memory_space<vmem>>, vector<1x16xf32>,
        %swap3A_121 = vector.shape_cast %swap3A_120 : vector<1x16xf32> to vector<16xf32>
        %swap3A_122 = vector.shape_cast %get3A_117 : vector<16xf32> to vector<1x16xf32>
        tpu.vector_store %arg9[%swap3A_118, %swap3A_119], %swap3A_122 {add = true, strides = array<i32>} : memref<128x128xf32, #tpu.memory_space<vmem>>, vector<1x16xf32>,
        %get3A_123 = arith.index_cast %select_n3A : i32 to index
        %get3A_124 = arith.constant 96 : index
        %get3A_125 = tpu.vector_load %arg7[%get3A_123, %get3A_124] {strides = array<i32>} : memref<200x128xf32, #tpu.memory_space<vmem>>, vector<1x16xf32>,
        %get3A_126 = vector.shape_cast %get3A_125 : vector<1x16xf32> to vector<16xf32>
        %swap3A_127 = arith.index_cast %scan3A_67 : i32 to index
        %swap3A_128 = arith.constant 96 : index
        %swap3A_129 = tpu.vector_load %arg9[%swap3A_127, %swap3A_128] {strides = array<i32>} : memref<128x128xf32, #tpu.memory_space<vmem>>, vector<1x16xf32>,
        %swap3A_130 = vector.shape_cast %swap3A_129 : vector<1x16xf32> to vector<16xf32>
        %swap3A_131 = vector.shape_cast %get3A_126 : vector<16xf32> to vector<1x16xf32>
        tpu.vector_store %arg9[%swap3A_127, %swap3A_128], %swap3A_131 {add = true, strides = array<i32>} : memref<128x128xf32, #tpu.memory_space<vmem>>, vector<1x16xf32>,
        %get3A_132 = arith.index_cast %select_n3A : i32 to index
        %get3A_133 = arith.constant 112 : index
        %get3A_134 = tpu.vector_load %arg7[%get3A_132, %get3A_133] {strides = array<i32>} : memref<200x128xf32, #tpu.memory_space<vmem>>, vector<1x16xf32>,
        %get3A_135 = vector.shape_cast %get3A_134 : vector<1x16xf32> to vector<16xf32>
        %swap3A_136 = arith.index_cast %scan3A_67 : i32 to index
        %swap3A_137 = arith.constant 112 : index
        %swap3A_138 = tpu.vector_load %arg9[%swap3A_136, %swap3A_137] {strides = array<i32>} : memref<128x128xf32, #tpu.memory_space<vmem>>, vector<1x16xf32>,
        %swap3A_139 = vector.shape_cast %swap3A_138 : vector<1x16xf32> to vector<16xf32>
        %swap3A_140 = vector.shape_cast %get3A_135 : vector<16xf32> to vector<1x16xf32>
        tpu.vector_store %arg9[%swap3A_136, %swap3A_137], %swap3A_140 {add = true, strides = array<i32>} : memref<128x128xf32, #tpu.memory_space<vmem>>, vector<1x16xf32>,
        %scan3A_141 = arith.constant 1 : i32
        %scan3A_142 = arith.addi %scan3A_67, %scan3A_141 : i32
        %add3A_143 = arith.addi %rem3A_53, %scan3A_142 : i32
        %ge3A_144 = arith.constant 200 : i32
        %ge3A_145 = arith.cmpi sge, %add3A_143, %ge3A_144 : i32
        %sub3A_146 = arith.constant 200 : i32
        %sub3A_147 = arith.subi %add3A_143, %sub3A_146 : i32
        %select_n3A_148 = arith.select %ge3A_145, %sub3A_147, %add3A_143 : i32
        %get3A_149 = arith.index_cast %select_n3A_148 : i32 to index
        %get3A_150 = arith.constant 0 : index
        %get3A_151 = tpu.vector_load %arg7[%get3A_149, %get3A_150] {strides = array<i32>} : memref<200x128xf32, #tpu.memory_space<vmem>>, vector<1x16xf32>,
        %get3A_152 = vector.shape_cast %get3A_151 : vector<1x16xf32> to vector<16xf32>
        %swap3A_153 = arith.index_cast %scan3A_142 : i32 to index
        %swap3A_154 = arith.constant 0 : index
        %swap3A_155 = tpu.vector_load %arg9[%swap3A_153, %swap3A_154] {strides = array<i32>} : memref<128x128xf32, #tpu.memory_space<vmem>>, vector<1x16xf32>,
        %swap3A_156 = vector.shape_cast %swap3A_155 : vector<1x16xf32> to vector<16xf32>
        %swap3A_157 = vector.shape_cast %get3A_152 : vector<16xf32> to vector<1x16xf32>
        tpu.vector_store %arg9[%swap3A_153, %swap3A_154], %swap3A_157 {add = true, strides = array<i32>} : memref<128x128xf32, #tpu.memory_space<vmem>>, vector<1x16xf32>,
        %get3A_158 = arith.index_cast %select_n3A_148 : i32 to index
        %get3A_159 = arith.constant 16 : index
        %get3A_160 = tpu.vector_load %arg7[%get3A_158, %get3A_159] {strides = array<i32>} : memref<200x128xf32, #tpu.memory_space<vmem>>, vector<1x16xf32>,
        %get3A_161 = vector.shape_cast %get3A_160 : vector<1x16xf32> to vector<16xf32>
        %swap3A_162 = arith.index_cast %scan3A_142 : i32 to index
        %swap3A_163 = arith.constant 16 : index
        %swap3A_164 = tpu.vector_load %arg9[%swap3A_162, %swap3A_163] {strides = array<i32>} : memref<128x128xf32, #tpu.memory_space<vmem>>, vector<1x16xf32>,
        %swap3A_165 = vector.shape_cast %swap3A_164 : vector<1x16xf32> to vector<16xf32>
        %swap3A_166 = vector.shape_cast %get3A_161 : vector<16xf32> to vector<1x16xf32>
        tpu.vector_store %arg9[%swap3A_162, %swap3A_163], %swap3A_166 {add = true, strides = array<i32>} : memref<128x128xf32, #tpu.memory_space<vmem>>, vector<1x16xf32>,
        %get3A_167 = arith.index_cast %select_n3A_148 : i32 to index
        %get3A_168 = arith.constant 32 : index
        %get3A_169 = tpu.vector_load %arg7[%get3A_167, %get3A_168] {strides = array<i32>} : memref<200x128xf32, #tpu.memory_space<vmem>>, vector<1x16xf32>,
        %get3A_170 = vector.shape_cast %get3A_169 : vector<1x16xf32> to vector<16xf32>
        %swap3A_171 = arith.index_cast %scan3A_142 : i32 to index
        %swap3A_172 = arith.constant 32 : index
        %swap3A_173 = tpu.vector_load %arg9[%swap3A_171, %swap3A_172] {strides = array<i32>} : memref<128x128xf32, #tpu.memory_space<vmem>>, vector<1x16xf32>,
        %swap3A_174 = vector.shape_cast %swap3A_173 : vector<1x16xf32> to vector<16xf32>
        %swap3A_175 = vector.shape_cast %get3A_170 : vector<16xf32> to vector<1x16xf32>
        tpu.vector_store %arg9[%swap3A_171, %swap3A_172], %swap3A_175 {add = true, strides = array<i32>} : memref<128x128xf32, #tpu.memory_space<vmem>>, vector<1x16xf32>,
        %get3A_176 = arith.index_cast %select_n3A_148 : i32 to index
        %get3A_177 = arith.constant 48 : index
        %get3A_178 = tpu.vector_load %arg7[%get3A_176, %get3A_177] {strides = array<i32>} : memref<200x128xf32, #tpu.memory_space<vmem>>, vector<1x16xf32>,
        %get3A_179 = vector.shape_cast %get3A_178 : vector<1x16xf32> to vector<16xf32>
        %swap3A_180 = arith.index_cast %scan3A_142 : i32 to index
        %swap3A_181 = arith.constant 48 : index
        %swap3A_182 = tpu.vector_load %arg9[%swap3A_180, %swap3A_181] {strides = array<i32>} : memref<128x128xf32, #tpu.memory_space<vmem>>, vector<1x16xf32>,
        %swap3A_183 = vector.shape_cast %swap3A_182 : vector<1x16xf32> to vector<16xf32>
        %swap3A_184 = vector.shape_cast %get3A_179 : vector<16xf32> to vector<1x16xf32>
        tpu.vector_store %arg9[%swap3A_180, %swap3A_181], %swap3A_184 {add = true, strides = array<i32>} : memref<128x128xf32, #tpu.memory_space<vmem>>, vector<1x16xf32>,
        %get3A_185 = arith.index_cast %select_n3A_148 : i32 to index
        %get3A_186 = arith.constant 64 : index
        %get3A_187 = tpu.vector_load %arg7[%get3A_185, %get3A_186] {strides = array<i32>} : memref<200x128xf32, #tpu.memory_space<vmem>>, vector<1x16xf32>,
        %get3A_188 = vector.shape_cast %get3A_187 : vector<1x16xf32> to vector<16xf32>
        %swap3A_189 = arith.index_cast %scan3A_142 : i32 to index
        %swap3A_190 = arith.constant 64 : index
        %swap3A_191 = tpu.vector_load %arg9[%swap3A_189, %swap3A_190] {strides = array<i32>} : memref<128x128xf32, #tpu.memory_space<vmem>>, vector<1x16xf32>,
        %swap3A_192 = vector.shape_cast %swap3A_191 : vector<1x16xf32> to vector<16xf32>
        %swap3A_193 = vector.shape_cast %get3A_188 : vector<16xf32> to vector<1x16xf32>
        tpu.vector_store %arg9[%swap3A_189, %swap3A_190], %swap3A_193 {add = true, strides = array<i32>} : memref<128x128xf32, #tpu.memory_space<vmem>>, vector<1x16xf32>,
        %get3A_194 = arith.index_cast %select_n3A_148 : i32 to index
        %get3A_195 = arith.constant 80 : index
        %get3A_196 = tpu.vector_load %arg7[%get3A_194, %get3A_195] {strides = array<i32>} : memref<200x128xf32, #tpu.memory_space<vmem>>, vector<1x16xf32>,
        %get3A_197 = vector.shape_cast %get3A_196 : vector<1x16xf32> to vector<16xf32>
        %swap3A_198 = arith.index_cast %scan3A_142 : i32 to index
        %swap3A_199 = arith.constant 80 : index
        %swap3A_200 = tpu.vector_load %arg9[%swap3A_198, %swap3A_199] {strides = array<i32>} : memref<128x128xf32, #tpu.memory_space<vmem>>, vector<1x16xf32>,
        %swap3A_201 = vector.shape_cast %swap3A_200 : vector<1x16xf32> to vector<16xf32>
        %swap3A_202 = vector.shape_cast %get3A_197 : vector<16xf32> to vector<1x16xf32>
        tpu.vector_store %arg9[%swap3A_198, %swap3A_199], %swap3A_202 {add = true, strides = array<i32>} : memref<128x128xf32, #tpu.memory_space<vmem>>, vector<1x16xf32>,
        %get3A_203 = arith.index_cast %select_n3A_148 : i32 to index
        %get3A_204 = arith.constant 96 : index
        %get3A_205 = tpu.vector_load %arg7[%get3A_203, %get3A_204] {strides = array<i32>} : memref<200x128xf32, #tpu.memory_space<vmem>>, vector<1x16xf32>,
        %get3A_206 = vector.shape_cast %get3A_205 : vector<1x16xf32> to vector<16xf32>
        %swap3A_207 = arith.index_cast %scan3A_142 : i32 to index
        %swap3A_208 = arith.constant 96 : index
        %swap3A_209 = tpu.vector_load %arg9[%swap3A_207, %swap3A_208] {strides = array<i32>} : memref<128x128xf32, #tpu.memory_space<vmem>>, vector<1x16xf32>,
        %swap3A_210 = vector.shape_cast %swap3A_209 : vector<1x16xf32> to vector<16xf32>
        %swap3A_211 = vector.shape_cast %get3A_206 : vector<16xf32> to vector<1x16xf32>
        tpu.vector_store %arg9[%swap3A_207, %swap3A_208], %swap3A_211 {add = true, strides = array<i32>} : memref<128x128xf32, #tpu.memory_space<vmem>>, vector<1x16xf32>,
        %get3A_212 = arith.index_cast %select_n3A_148 : i32 to index
        %get3A_213 = arith.constant 112 : index
        %get3A_214 = tpu.vector_load %arg7[%get3A_212, %get3A_213] {strides = array<i32>} : memref<200x128xf32, #tpu.memory_space<vmem>>, vector<1x16xf32>,
        %get3A_215 = vector.shape_cast %get3A_214 : vector<1x16xf32> to vector<16xf32>
        %swap3A_216 = arith.index_cast %scan3A_142 : i32 to index
        %swap3A_217 = arith.constant 112 : index
        %swap3A_218 = tpu.vector_load %arg9[%swap3A_216, %swap3A_217] {strides = array<i32>} : memref<128x128xf32, #tpu.memory_space<vmem>>, vector<1x16xf32>,
        %swap3A_219 = vector.shape_cast %swap3A_218 : vector<1x16xf32> to vector<16xf32>
        %swap3A_220 = vector.shape_cast %get3A_215 : vector<16xf32> to vector<1x16xf32>
        tpu.vector_store %arg9[%swap3A_216, %swap3A_217], %swap3A_220 {add = true, strides = array<i32>} : memref<128x128xf32, #tpu.memory_space<vmem>>, vector<1x16xf32>,
      }
      %scan3A_59 = arith.constant 128 : i32
      "tpu.region"() ({
        %run_scoped3A = tpu.sem_alloc : memref<!tpu.dma_semaphore, #tpu.memory_space<semaphore_mem>>
        %dma_start3A_67 = arith.constant 0 : i32
        %dma_start3A_68 = arith.constant 0 : i32
        %dma_start3A_69 = tpu.memref_slice %arg5[%add3A, %add3A_43, %dma_start3A_67, %dma_start3A_68] : memref<32x50x128x128xf32, #tpu.memory_space<hbm>> -> memref<1x1x128x128xf32, #tpu.memory_space<hbm>>
        %dma_start3A_70 = tpu.memref_squeeze %dma_start3A_69 : memref<1x1x128x128xf32, #tpu.memory_space<hbm>> -> memref<128x128xf32, #tpu.memory_space<hbm>>
        %dma_start3A_71 = arith.constant 0 : i32
        %dma_start3A_72 = arith.constant 0 : i32
        %dma_start3A_73 = tpu.memref_slice %arg5[%add3A, %add3A_43, %dma_start3A_71, %dma_start3A_72] : memref<32x50x128x128xf32, #tpu.memory_space<hbm>> -> memref<1x1x128x128xf32, #tpu.memory_space<hbm>>
        %dma_start3A_74 = tpu.memref_squeeze %dma_start3A_73 : memref<1x1x128x128xf32, #tpu.memory_space<hbm>> -> memref<128x128xf32, #tpu.memory_space<hbm>>
        tpu.enqueue_dma source(%arg9 : memref<128x128xf32, #tpu.memory_space<vmem>>) target(%dma_start3A_74 : memref<128x128xf32, #tpu.memory_space<hbm>>) target_semaphore(%run_scoped3A : memref<!tpu.dma_semaphore, #tpu.memory_space<semaphore_mem>>)
        %dma_wait3A_75 = arith.constant 0 : i32
        %dma_wait3A_76 = arith.constant 0 : i32
        %dma_wait3A_77 = tpu.memref_slice %arg5[%add3A, %add3A_43, %dma_wait3A_75, %dma_wait3A_76] : memref<32x50x128x128xf32, #tpu.memory_space<hbm>> -> memref<1x1x128x128xf32, #tpu.memory_space<hbm>>
        %dma_wait3A_78 = tpu.memref_squeeze %dma_wait3A_77 : memref<1x1x128x128xf32, #tpu.memory_space<hbm>> -> memref<128x128xf32, #tpu.memory_space<hbm>>
        %dma_wait3A_79 = arith.constant 0 : i32
        %dma_wait3A_80 = arith.constant 0 : i32
        %dma_wait3A_81 = tpu.memref_slice %arg5[%add3A, %add3A_43, %dma_wait3A_79, %dma_wait3A_80] : memref<32x50x128x128xf32, #tpu.memory_space<hbm>> -> memref<1x1x128x128xf32, #tpu.memory_space<hbm>>
        %dma_wait3A_82 = tpu.memref_squeeze %dma_wait3A_81 : memref<1x1x128x128xf32, #tpu.memory_space<hbm>> -> memref<128x128xf32, #tpu.memory_space<hbm>>
        tpu.wait_dma2 semaphore(%run_scoped3A : memref<!tpu.dma_semaphore, #tpu.memory_space<semaphore_mem>>) src(%arg9 : memref<128x128xf32, #tpu.memory_space<vmem>>) dst(%dma_wait3A_82 : memref<128x128xf32, #tpu.memory_space<hbm>>)
        tpu.yield
      }) : () -> ()
      %add3A_60 = arith.constant 2 : i32
      %add3A_61 = arith.addi %add3A_43, %add3A_60 : i32
      %lt3A_62 = arith.constant 50 : i32
      %lt3A_63 = arith.cmpi slt, %add3A_61, %lt3A_62 : i32
      %convert_element_type3A_64 = arith.extui %lt3A_63 : i1 to i32
      %cond3A_65 = arith.constant 0 : i32
      %cond3A_66 = arith.cmpi ne, %convert_element_type3A_64, %cond3A_65 : i32
      scf.if %cond3A_66 {
        %dma_start3A_67 = arith.constant 0 : i32
        %dma_start3A_68 = tpu.memref_slice %arg6[%add3A_61, %dma_start3A_67] : memref<50x128xi32, #tpu.memory_space<vmem>> -> memref<1x128xi32, #tpu.memory_space<vmem>>
        %dma_start3A_69 = tpu.memref_squeeze %dma_start3A_68 : memref<1x128xi32, #tpu.memory_space<vmem>> -> memref<128xi32, #tpu.memory_space<vmem>>
        %dma_start3A_70 = arith.constant 0 : i32
        %dma_start3A_71 = arith.constant 0 : i32
        %dma_start3A_72 = tpu.memref_slice %arg4[%dma_start3A_70, %dma_start3A_71] : memref<100000x128xf32, #tpu.memory_space<hbm>> -> memref<100000x128xf32, #tpu.memory_space<hbm>>
        tpu.enqueue_indirect_dma source(%dma_start3A_72 : memref<100000x128xf32, #tpu.memory_space<hbm>>) target(%arg9 : memref<128x128xf32, #tpu.memory_space<vmem>>) offsets(%dma_start3A_69 : memref<128xi32, #tpu.memory_space<vmem>>) semaphore(%arg11 : memref<!tpu.dma_semaphore, #tpu.memory_space<semaphore_mem>>)
      } else {
      }
    }
    %scan3A_18 = arith.constant 25 : i32
    return
  }
}

</mosaic_0001>

<sc_bundles>
// kernel: kernel.3.cloned.1.call-start
scs
__scs_entry_jumppad:
0x0: {  	(pc) =	sbr.rel $0x88, $3  }
0x1: {  	(tag) =	ssettag $0x0;
	lr =	simm.s32 $0x1  }
0x2: {  	[smem:$0x3F9F] =	sst lr;
	_ =	strace $0xD0000000  }
0x3: {  	_ = 	snop  }
0x4: {  	_ = 	snop  }
0x5: {  	_ = 	snop  }
0x6: {  	_ = 	snop  }
0x7: {  	_ = 	snop  }
__scs_overlays_trampoline_lowered:
0x8: {  	[smem:$0x3FAE] =	sst s0  }
0x9: {  	[smem:$0x3FAF] =	sst s1  }
0xa: {  	[smem:$0x3FB0] =	sst s2  }
0xb: {  	[smem:$0x3FB1] =	sst s3  }
0xc: {  	[smem:$0x3FB2] =	sst s4  }
0xd: {  	[smem:$0x3FB3] =	sst s5  }
0xe: {  	[smem:$0x3FB4] =	sst s6  }
0xf: {  	[smem:$0x3FB5] =	sst s7  }
0x10: {  	[smem:$0x3FB6] =	sst s8  }
0x11: {  	[smem:$0x3FB7] =	sst s9;
	s0 =	simm.s32 @!p0 $0x0  }
0x12: {  	s1 =	sld [smem:$0x3F9D];
	s0 =	simm.s32 @p0 $0x1  }
0x13: {  	[smem:$0x3FB8] =	sst s0;
	s0 =	simm.s32 @!p1 $0x0  }
0x14: {  	s2 =	sld [smem:$0x3F9C];
	s0 =	simm.s32 @p1 $0x1  }
0x15: {  	[smem:$0x3FB9] =	sst s0;
	s0 =	simm.s32 @!p2 $0x0  }
0x16: {  	s3 =	sld [smem:$0x3FDB];
	s0 =	simm.s32 @p2 $0x1  }
0x17: {  	s4 =	simm.s32 $0x1BF5;
	[smem:$0x3FBB] =	sst s0  }
0x18: {  	s0 =	sld [smem:$0x3F9E];
	_ =	swait.ge [sflag:s4], $0x0  }
0x19: {  	s7 =	sld [smem:$0x3F9F]  }
0x1a: {  	s8 =	sadd.s32 $0xFFFFE003, lr  }
0x1b: {  	s9 =	sadd.s32 $0xFFFFFEF7, lr;
	s5 =	simm.s32 $0xFFFFFFFF;
	p2 =	slt.u32 s8, $0xFFFFF086  }
0x1c: {  	p1 =	slt.u32 s9, $0xF7A;
	s5 =	simm.s32 @!p2 $0x0  }
0x1d: {  	s5 =	simm.s32 @p1 $0x1;
	p0 =	seq.s32 s7, s2  }
0x1e: {  	s7 =	smul.u32 @!p0 $0xF7A, s2;
	p2 =	seq.s32 @!p0 s5, $0x0  }
0x1f: {  	s9 =	smul.u32 $0xF7A, s1;
	s8 =	simm.s32 @!p0 $0x1BF5;
	p2 =	por !p2, p0  }
0x20: {  	[sflag:s8] =	ssyncset.s32 @!p0 $0xFFFFF086;
	s6 =	sadd.s32 @!p0 s3, s7;
	s7 =	simm.s32 @!p0 $0x108  }
0x21: {  	s3 =	sadd.s32 s3, s9;
	s6 =	sadd.s32 @!p0 $0x88, s6;
	s7 =	simm.s32 @p2 $0x1082  }
0x22: {  	[simem:s7], [sflag:s8] =	dma.local @!p0 [hbm:s6], $0xF7A  }
0x23: {  	s9 =	sor.u32 $0xD0000000, s2;
	s6 =	simm.s32 $0x108;
	_ =	swait.ge @!p0 [sflag:s8], $0x0  }
0x24: {  	s3 =	sadd.s32 $0x88, s3;
	s6 =	simm.s32 @!p1 $0x1082;
	[sflag:s4] =	ssyncset.s32 $0xFFFFF086  }
0x25: {  	[simem:s6], [sflag:s4] =	dma.local [hbm:s3], $0xF7A  }
0x26: {  	[smem:$0x3F9F] =	sst s1;
	(tag) =	ssettag s2;
	_ =	strace s9  }
0x27: {  	s1 =	sld [smem:$0x3FAF]  }
0x28: {  	s2 =	sld [smem:$0x3FB0]  }
0x29: {  	s4 =	sld [smem:$0x3FB2]  }
0x2a: {  	p0 =	seq.s32 s5, $0x0;
	s5 =	sld [smem:$0x3FB3]  }
0x2b: {  	s6 =	sld [smem:$0x3FB4]  }
0x2c: {  	s7 =	sld [smem:$0x3FB5]  }
0x2d: {  	s3 =	simm.s32 $0x108;
	s8 =	sld [smem:$0x3FB6]  }
0x2e: {  	s3 =	simm.s32 @!p0 $0x1082;
	s9 =	sld [smem:$0x3FB7]  }
0x2f: {  	lr =	sadd.s32 s0, s3;
	s0 =	sld [smem:$0x3FAE]  }
0x30: {  	s3 =	sld [smem:$0x3FB1]  }
0x31: {  	[smem:$0x3FBA] =	sst s10  }
0x32: {  	s10 =	sld [smem:$0x3FB8];
	_ =	sdelay $0x3  }
0x33: {  	p0 =	seq.s32 s10, $0x1;
	s10 =	sld [smem:$0x3FBA];
	_ =	sdelay $0x3  }
0x34: {  	[smem:$0x3FBA] =	sst s10  }
0x35: {  	s10 =	sld [smem:$0x3FB9];
	_ =	sdelay $0x3  }
0x36: {  	p1 =	seq.s32 s10, $0x1;
	s10 =	sld [smem:$0x3FBA];
	_ =	sdelay $0x3  }
0x37: {  	[smem:$0x3FBA] =	sst s10  }
0x38: {  	s10 =	sld [smem:$0x3FBB]  }
0x39: {  	_ = 	snop;
	(pc) =	sbr.ind lr, $3  }
0x3a: {  	_ = 	snop  }
0x3b: {  	_ = 	snop  }
0x3c: {  	p2 =	seq.s32 s10, $0x1;
	s10 =	sld [smem:$0x3FBA]  }
0x3d: {  	_ =	shalt  }
0x3e: {  	_ =	shalt  }
0x3f: {  	_ =	shalt  }
0x40: {  	_ =	shalt  }
0x41: {  	_ =	shalt  }
0x42: {  	_ =	shalt  }
0x43: {  	_ =	shalt  }
0x44: {  	_ =	shalt  }
0x45: {  	_ =	shalt  }
0x46: {  	_ =	shalt  }
0x47: {  	_ =	shalt  }
0x48: {  	_ =	shalt  }
0x49: {  	_ =	shalt  }
0x4a: {  	_ =	shalt  }
0x4b: {  	_ =	shalt  }
0x4c: {  	_ =	shalt  }
0x4d: {  	_ =	shalt  }
0x4e: {  	_ =	shalt  }
0x4f: {  	_ =	shalt  }
0x50: {  	_ =	shalt  }
0x51: {  	_ =	shalt  }
0x52: {  	_ =	shalt  }
0x53: {  	_ =	shalt  }
0x54: {  	_ =	shalt  }
0x55: {  	_ =	shalt  }
0x56: {  	_ =	shalt  }
0x57: {  	_ =	shalt  }
0x58: {  	_ =	shalt  }
0x59: {  	_ =	shalt  }
0x5a: {  	_ =	shalt  }
0x5b: {  	_ =	shalt  }
0x5c: {  	_ =	shalt  }
0x5d: {  	_ =	shalt  }
0x5e: {  	_ =	shalt  }
0x5f: {  	_ =	shalt  }
0x60: {  	_ =	shalt  }
0x61: {  	_ =	shalt  }
0x62: {  	_ =	shalt  }
0x63: {  	_ =	shalt  }
0x64: {  	_ =	shalt  }
0x65: {  	_ =	shalt  }
0x66: {  	_ =	shalt  }
0x67: {  	_ =	shalt  }
0x68: {  	_ =	shalt  }
0x69: {  	_ =	shalt  }
0x6a: {  	_ =	shalt  }
0x6b: {  	_ =	shalt  }
0x6c: {  	_ =	shalt  }
0x6d: {  	_ =	shalt  }
0x6e: {  	_ =	shalt  }
0x6f: {  	_ =	shalt  }
0x70: {  	_ =	shalt  }
0x71: {  	_ =	shalt  }
0x72: {  	_ =	shalt  }
0x73: {  	_ =	shalt  }
0x74: {  	_ =	shalt  }
0x75: {  	_ =	shalt  }
0x76: {  	_ =	shalt  }
0x77: {  	_ =	shalt  }
0x78: {  	_ =	shalt  }
0x79: {  	_ =	shalt  }
0x7a: {  	_ =	shalt  }
0x7b: {  	_ =	shalt  }
0x7c: {  	_ =	shalt  }
0x7d: {  	_ =	shalt  }
0x7e: {  	_ =	shalt  }
0x7f: {  	_ =	shalt  }
0x80: {  	_ =	shalt  }
0x81: {  	_ =	shalt  }
0x82: {  	_ =	shalt  }
0x83: {  	_ =	shalt  }
0x84: {  	_ =	shalt  }
0x85: {  	_ =	shalt  }
0x86: {  	_ =	shalt  }
0x87: {  	_ =	shalt  }
.Lfunc_end0:
.L_simem_size_0:
called_computation_lowered:
.L_overlay_start_0:
0x88: {  	s2 =	sld [smem:$0x3FD9]  }
0x89: {  	s3 =	sld [smem:$0x3FFE];
	_ =	sdelay $0x1  }
0x8a: {  	s1 =	srdreg.scid  }
0x8b: {  	s0 =	sand.u32 $0x1, s1  }
0x8c: {  	s17 =	sshll.u32 s0, $0xA;
	s2 =	sadd.s32 s3, s2  }
0x8d: {  	s2 =	sadd.s32 s2, s17  }
0x8e: {  	[smem:$0x3FC6] =	sst s2  }
0x8f: {  	_ = 	snop  }
0x90: {  	s2 =	sld [smem:$0x3FC8]  }
0x91: {  	s18 =	sld [smem:$0x3FD0];
	(tm) =	ssettm $0x1  }
0x92: {  	s4 =	sld [smem:$0x3FFB];
	_ =	sdelay $0x3  }
0x93: {  	_ =	strace s4  }
0x94: {  	s4 =	sld [smem:$0x3FFC];
	_ =	sdelay $0x3  }
0x95: {  	_ =	strace s4  }
0x96: {  	s4 =	sld [smem:$0x3FFD];
	_ =	sdelay $0x3  }
0x97: {  	_ =	strace s4  }
0x98: {  	_ =	strace $0x8FFFFFFF  }
0x99: {  	s19 =	sld [smem:$0x3FDB];
	_ =	sdelay $0x1  }
0x9a: {  	s5 =	simm.s32 $_scs_section_size  }
0x9b: {  	s6 =	simm.s32 $_size__tile_overlayer_lowered;
	s7 =	simm.s32 $_tile_overlayer_lowered  }
0x9c: {  	s22 =	simm.s32 $0x1BFF;
	s21 =	sshll.u32 s7, $0x1;
	s4 =	sadd.s32 s5, s19  }
0x9d: {  	s8 =	simm.s32 $0x0;
	s20 =	sshll.u32 s6, $0x1;
	s6 =	sadd.s32 s21, s4  }
0x9e: {  	[timem:s8], [sflag:s22] =	dma.local [hbm:s6], s20  }
0x9f: {  	_ =	swait.ge [sflag:s22], s20  }
0xa0: {  	s5 =	ssub.s32 $0x0, s20;
	[sflag:s22] =	ssyncset.done $0x0  }
0xa1: {  	[sflag:s22] =	ssyncadd.s32 s5;
	_ =	sdelay $0x1  }
0xa2: {  	s23 =	simm.s32 $0x1B8B  }
0xa3: {  	_ =	swait.ge [sflag:s23], $0x1  }
0xa4: {  	[sflag:s23] =	ssyncset.done $0x0  }
0xa5: {  	s25 =	simm.s32 $0x1B8E;
	s24 =	sld [smem:$0x3FFE];
	[sflag:s23] =	ssyncadd.s32 $0xFFFFFFFF  }
0xa6: {  	s26 =	simm.s32 $execute0_lowered;
	[smem:$0x3FD2] =	sst s25  }
0xa7: {  	s6 =	sshll.u32 s26, $0x1;
	_ =	strace $0x80000046;
	[dreg:$0x1] =	wrdreg $0xFFFFFFFF  }
0xa8: {  	s28 =	simm.s32 $_size_execute0_lowered;
	s4 =	sadd.s32 s4, s6;
	[dreg:$0x0] =	wrdreg $0x0  }
0xa9: {  	s6 =	sshll.u32 s28, $0x1;
	[dreg:$0x2] =	wrdreg s4  }
0xaa: {  	[dreg:$0x3] =	wrdreg s6  }
0xab: {  	[dreg:$0x4] =	wrdreg $0xC0  }
0xac: {  	_ =	task [dreg:s8], $0x5FFFF  }
0xad: {  	[dreg:$0x1] =	wrdreg $0xFFFFFFFF  }
0xae: {  	[dreg:$0x0] =	wrdreg $0x60  }
0xaf: {  	[dreg:$0x2] =	wrdreg s24  }
0xb0: {  	[dreg:$0x3] =	wrdreg s2  }
0xb1: {  	[dreg:$0x4] =	wrdreg s18  }
0xb2: {  	[dreg:$0x5] =	wrdreg $0x9  }
0xb3: {  	_ =	task.clear_ibuf [dreg:s8], $0x6FFFF;
	_ =	strace $0x90000046  }
0xb4: {  	s29 =	simm.s32 $0x9;
	_ =	strace $0x80000048  }
0xb5: {  	_ =	swait.ge [sflag:s29], $0x1  }
0xb6: {  	[sflag:s29] =	ssyncadd.s32 $0xFFFFFFFF  }
0xb7: {  	_ =	strace $0x90000048  }
0xb8: {  	_ =	sfence  }
0xb9: {  	s30 =	sld [smem:$0x0];
	_ =	sdelay $0x2  }
0xba: {  	s31 =	sshll.u32 s1, $0xD;
	s1 =	sshrl.u32 s1, $0x2  }
0xbb: {  	s3 =	sand.u32 $0x4000, s31;
	s1 =	sadd.s32 s1, s30  }
0xbc: {  	s0 =	sor.u32 s3, s0;
	s1 =	sshll.u32 s1, $0x11  }
0xbd: {  	s0 =	sor.u32 s1, s0  }
0xbe: {  	s0 =	sadd.s32 $0x8F2B, s0  }
0xbf: {  	[sflag:s0] =	ssyncadd.remote.s32 $0x1  }
0xc0: {  	_ =	sfence.sel $0xFFFF  }
0xc1: {  	[dreg:$0x0] =	wrdreg $0xFFFFFFFF;
	(pc) =	sbr.abs _section_cstart, $3  }
0xc2: {  	[dreg:$0x1] =	wrdreg $0xFFFFFFFF  }
0xc3: {  	_ =	task.clear_ibuf [dreg:s8], $0x2FFFF;
	_ =	strace $0x9FFFFFFF  }
0xc4: {  	(tm) =	ssettm $0x7FFFFFFF  }
0xc5: {  	_ =	shalt  }
tec
execute0_lowered:
.L_overlay_start_1:
0x0: {  	(tag) =	ssettag $0x1  }
0x1: {  	s5 =	rddreg [dreg:$0x0]  }
0x2: {  	s2 =	rddreg [dreg:$0x1];
	s1 =	srdreg.scid  }
0x3: {  	s0 =	stileid.u32;
	s3 =	rddreg [dreg:$0x2];
	s4 =	simm.s32 $0x0  }
0x4: {  	s10 =	simm.s32 $0x1C00;
	s11 =	simm.s32 $0x8000;
	s12 =	simm.s32 $0xC000  }
0x5: {  	s13 =	simm.s32 $0x1;
	s14 =	simm.s32 $0x2;
	s15 =	simm.s32 $0x80  }
0x6: {  	s16 =	simm.s32 $0x0;
	s6 =	sand.u32 $0x1, s1;
	s7 =	sshll.u32 s0, $0x1  }
.Ltmp0:
0x7: {  	s1 =	rddreg [dreg:$0x3];
	s7 =	sor.u32 s6, s7;
	(pc) =	sbr.rel .LBB2_1-.Ltmp0, $4  }
0x8: {  	[smem:$0x7FF] =	sst s4;
	s6 =	ssub.s32 $0x2, s6;
	s8 =	smul.u32 $0x380, s7  }
0x9: {  	_ =	strace $0x80000047;
	s9 =	sshrl.u32 s6, $0x1;
	s7 =	smul.u32 $0xC8000, s7  }
0xa: {  	s9 =	ssub.s32 s6, s9;
	s8 =	sadd.s32 s8, s5;
	s5 =	sadd.s32 $0x7400, s5  }
0xb: {  	s6 =	sadd.s32 $0x400, s8;
	s8 =	smax.u32 s9, $0x1;
	s9 =	simm.s32 $0x3  }
.LBB2_8:
0xc: {  	s16 =	sadd.s32 $0x1, s16  }
0xd: {  	p0 =	sne.s32 s16, s8  }
.Ltmp1:
0xe: {  	_ = 	snop;
	(pc) =	sbr.rel @!p0 .LBB2_9-.Ltmp1, $1  }
0xf: {  	_ =	sdelay $0x3  }
.LBB2_1:
0x10: {  	[tilespmem:s4], [sflag:$0x3] =	stream.linear.gather [hbm4b:s6+s4], $0x1900, $0x38;
	[tilespmem:$0x10000] =	vst v63  }
0x11: {  	_ =	swait.ge [sflag:s9], $0x1900  }
0x12: {  	[sflag:s9] =	ssyncset.done $0x0  }
0x13: {  	[sflag:s9] =	ssyncadd.s32 $0xFFFFE700  }
0x14: {  	[tilespmem:s10], [sflag:$0x3] =	stream.linear.gather [hbm4b:s5+s4], $0x6400, $0x38;
	[tilespmem:$0x10000] =	vst v63  }
0x15: {  	_ =	swait.ge [sflag:s9], $0x6400  }
0x16: {  	[sflag:s9] =	ssyncset.done $0x0  }
0x17: {  	s17 =	simm.s32 $0x4080;
	s18 =	simm.s32 $0x80;
	[sflag:s9] =	ssyncadd.s32 $0xFFFF9C00  }
0x18: {  	[tilespmem:s11], [sflag:$0x1] =	stream.indirect.gather [hbm4b:s2+s15], $0x80, s4, s15, $0xb8;
	[tilespmem:$0x10000] =	vst v63  }
0x19: {  	s19 =	simm.s32 $0x0;
	s20 =	simm.s32 $0x0;
	s21 =	simm.s32 $0x0  }
0x1a: {  	[tilespmem:s12], [sflag:$0x2] =	stream.indirect.gather [hbm4b:s2+s15], $0x80, s15, s15, $0xb8;
	[tilespmem:$0x10000] =	vst v63  }
.LBB2_2:
0x1b: {  	s22 =	smulhi.u32 $0x51EB851F, s19;
	_ =	sdelay $0x1  }
0x1c: {  	s22 =	sshrl.u32 s22, $0x6  }
0x1d: {  	s23 =	smul.u32 $0xC8, s22;
	_ =	sdelay $0x1  }
0x1e: {  	s22 =	smul.u32 $0x6400, s22;
	s24 =	ssub.s32 s19, s23  }
0x1f: {  	_ =	swait.ge [sflag:s13], $0x4000;
	s23 =	sadd.s32 $0xFFFFFFFE, s24  }
0x20: {  	[sflag:s13] =	ssyncset.done $0x0;
	s25 =	ssub.s32 s20, s22;
	s26 =	sadd.s32 $0x2, s23  }
0x21: {  	s22 =	sadd.s32 $0xFFFF9C00, s25;
	s28 =	smov.u32 s25;
	p0 =	sgt.u32 s26, $0xC7  }
0x22: {  	[sflag:s13] =	ssyncadd.s32 $0xFFFFC000;
	s28 =	smov.u32 @p0 s22  }
0x23: {  	v0 =	vld [tilespmem:s28+$0x1C00];
	_ =	sdelay $0x3  }
0x24: {  	s26 =	simm.s32 $0x8080  }
0x25: {  	[tilespmem:s26+$0xFFFFFF80] =	vst.add.f32.msk $0xffff, v0  }
0x26: {  	v0 =	vld [tilespmem:s28+$0x1C10];
	_ =	sdelay $0x4  }
0x27: {  	[tilespmem:s26+$0xFFFFFF90] =	vst.add.f32.msk $0xffff, v0  }
0x28: {  	v0 =	vld [tilespmem:s28+$0x1C20];
	_ =	sdelay $0x4  }
0x29: {  	[tilespmem:s26+$0xFFFFFFA0] =	vst.add.f32.msk $0xffff, v0  }
0x2a: {  	v0 =	vld [tilespmem:s28+$0x1C30];
	_ =	sdelay $0x4  }
0x2b: {  	[tilespmem:s26+$0xFFFFFFB0] =	vst.add.f32.msk $0xffff, v0  }
0x2c: {  	v0 =	vld [tilespmem:s28+$0x1C40];
	_ =	sdelay $0x4  }
0x2d: {  	[tilespmem:s26+$0xFFFFFFC0] =	vst.add.f32.msk $0xffff, v0  }
0x2e: {  	v0 =	vld [tilespmem:s28+$0x1C50];
	_ =	sdelay $0x4  }
0x2f: {  	[tilespmem:s26+$0xFFFFFFD0] =	vst.add.f32.msk $0xffff, v0  }
0x30: {  	v0 =	vld [tilespmem:s28+$0x1C60];
	_ =	sdelay $0x4  }
0x31: {  	[tilespmem:s26+$0xFFFFFFE0] =	vst.add.f32.msk $0xffff, v0  }
0x32: {  	v0 =	vld [tilespmem:s28+$0x1C70];
	_ =	sdelay $0x1  }
0x33: {  	s29 =	sadd.s32 $0x3, s23  }
0x34: {  	p0 =	sgt.u32 s29, $0xC7;
	s22 =	simm.s32 $0xFFFF9C80  }
0x35: {  	s22 =	simm.s32 @!p0 $0x80  }
0x36: {  	s29 =	sadd.s32 s22, s25;
	[tilespmem:s26+$0xFFFFFFF0] =	vst.add.f32.msk $0xffff, v0  }
0x37: {  	v0 =	vld [tilespmem:s29+$0x1C00];
	_ =	sdelay $0x4  }
0x38: {  	[tilespmem:s26+$0x0] =	vst.add.f32.msk $0xffff, v0  }
0x39: {  	v0 =	vld [tilespmem:s29+$0x1C10];
	_ =	sdelay $0x4  }
0x3a: {  	[tilespmem:s26+$0x10] =	vst.add.f32.msk $0xffff, v0  }
0x3b: {  	v0 =	vld [tilespmem:s29+$0x1C20];
	_ =	sdelay $0x4  }
0x3c: {  	[tilespmem:s26+$0x20] =	vst.add.f32.msk $0xffff, v0  }
0x3d: {  	v0 =	vld [tilespmem:s29+$0x1C30];
	_ =	sdelay $0x4  }
0x3e: {  	[tilespmem:s26+$0x30] =	vst.add.f32.msk $0xffff, v0  }
0x3f: {  	v0 =	vld [tilespmem:s29+$0x1C40];
	_ =	sdelay $0x4  }
0x40: {  	[tilespmem:s26+$0x40] =	vst.add.f32.msk $0xffff, v0  }
0x41: {  	v0 =	vld [tilespmem:s29+$0x1C50];
	_ =	sdelay $0x4  }
0x42: {  	[tilespmem:s26+$0x50] =	vst.add.f32.msk $0xffff, v0  }
0x43: {  	v0 =	vld [tilespmem:s29+$0x1C60]  }
0x44: {  	s30 =	smulhi.u32 $0x51EB851F, s18;
	_ =	sdelay $0x1  }
0x45: {  	s22 =	sshrl.u32 s30, $0x6  }
0x46: {  	s31 =	smul.u32 $0xC8, s22  }
0x47: {  	[tilespmem:s26+$0x60] =	vst.add.f32.msk $0xffff, v0  }
0x48: {  	s22 =	smul.u32 $0xFFFF9C00, s22;
	s23 =	ssub.s32 s19, s31;
	s28 =	simm.s32 $0x0;
	v0 =	vld [tilespmem:s29+$0x1C70]  }
.LBB2_3:
0x49: {  	_ = 	snop  }
0x4a: {  	s29 =	sadd.s32 s28, s24;
	s28 =	sadd.s32 $0x2, s28  }
0x4b: {  	s25 =	sadd.s32 $0x100, s25;
	s30 =	sadd.s32 $0x2, s29;
	p0 =	slt.u32 s28, $0x7E  }
0x4c: {  	s31 =	smov.u32 s25;
	p1 =	sgt.u32 s30, $0xC7;
	s30 =	sadd.s32 $0xFFFF9C00, s25  }
0x4d: {  	s31 =	smov.u32 @p1 s30;
	[tilespmem:s26+$0x70] =	vst.add.f32.msk $0xffff, v0  }
0x4e: {  	v0 =	vld [tilespmem:s31+$0x1C00];
	_ =	sdelay $0x3  }
0x4f: {  	s26 =	sadd.s32 $0x100, s26  }
0x50: {  	[tilespmem:s26+$0xFFFFFF80] =	vst.add.f32.msk $0xffff, v0  }
0x51: {  	v0 =	vld [tilespmem:s31+$0x1C10];
	_ =	sdelay $0x4  }
0x52: {  	[tilespmem:s26+$0xFFFFFF90] =	vst.add.f32.msk $0xffff, v0  }
0x53: {  	v0 =	vld [tilespmem:s31+$0x1C20];
	_ =	sdelay $0x4  }
0x54: {  	[tilespmem:s26+$0xFFFFFFA0] =	vst.add.f32.msk $0xffff, v0  }
0x55: {  	v0 =	vld [tilespmem:s31+$0x1C30];
	_ =	sdelay $0x4  }
0x56: {  	[tilespmem:s26+$0xFFFFFFB0] =	vst.add.f32.msk $0xffff, v0  }
0x57: {  	v0 =	vld [tilespmem:s31+$0x1C40];
	_ =	sdelay $0x4  }
0x58: {  	[tilespmem:s26+$0xFFFFFFC0] =	vst.add.f32.msk $0xffff, v0  }
0x59: {  	v0 =	vld [tilespmem:s31+$0x1C50];
	_ =	sdelay $0x4  }
0x5a: {  	[tilespmem:s26+$0xFFFFFFD0] =	vst.add.f32.msk $0xffff, v0  }
0x5b: {  	v0 =	vld [tilespmem:s31+$0x1C60];
	_ =	sdelay $0x4  }
0x5c: {  	[tilespmem:s26+$0xFFFFFFE0] =	vst.add.f32.msk $0xffff, v0  }
0x5d: {  	v0 =	vld [tilespmem:s31+$0x1C70];
	_ =	sdelay $0x1  }
0x5e: {  	s29 =	sadd.s32 $0x3, s29  }
0x5f: {  	p1 =	sgt.u32 s29, $0xC7;
	s29 =	simm.s32 $0xFFFF9C80  }
0x60: {  	s29 =	simm.s32 @!p1 $0x80  }
0x61: {  	s29 =	sadd.s32 s29, s25;
	[tilespmem:s26+$0xFFFFFFF0] =	vst.add.f32.msk $0xffff, v0  }
0x62: {  	v0 =	vld [tilespmem:s29+$0x1C00];
	_ =	sdelay $0x4  }
0x63: {  	[tilespmem:s26+$0x0] =	vst.add.f32.msk $0xffff, v0  }
0x64: {  	v0 =	vld [tilespmem:s29+$0x1C10];
	_ =	sdelay $0x4  }
0x65: {  	[tilespmem:s26+$0x10] =	vst.add.f32.msk $0xffff, v0  }
0x66: {  	v0 =	vld [tilespmem:s29+$0x1C20];
	_ =	sdelay $0x4  }
0x67: {  	[tilespmem:s26+$0x20] =	vst.add.f32.msk $0xffff, v0  }
0x68: {  	v0 =	vld [tilespmem:s29+$0x1C30];
	_ =	sdelay $0x4  }
0x69: {  	[tilespmem:s26+$0x30] =	vst.add.f32.msk $0xffff, v0  }
0x6a: {  	v0 =	vld [tilespmem:s29+$0x1C40];
	_ =	sdelay $0x4  }
0x6b: {  	[tilespmem:s26+$0x40] =	vst.add.f32.msk $0xffff, v0  }
0x6c: {  	v0 =	vld [tilespmem:s29+$0x1C50];
	_ =	sdelay $0x4  }
0x6d: {  	[tilespmem:s26+$0x50] =	vst.add.f32.msk $0xffff, v0  }
0x6e: {  	v0 =	vld [tilespmem:s29+$0x1C60];
	_ =	sdelay $0x1  }
.Ltmp2:
0x6f: {  	(pc) =	sbr.rel @p0 .LBB2_3-.Ltmp2, $3  }
0x70: {  	_ =	sdelay $0x1  }
0x71: {  	[tilespmem:s26+$0x60] =	vst.add.f32.msk $0xffff, v0  }
0x72: {  	v0 =	vld [tilespmem:s29+$0x1C70]  }
0x73: {  	_ = 	snop  }
0x74: {  	s24 =	sshll.u32 s21, $0xF  }
0x75: {  	s24 =	sadd.s32 s7, s24  }
0x76: {  	s24 =	sshrl.u32 s24, $0x3  }
0x77: {  	p0 =	seq.s32 s21, $0x18;
	s31 =	sadd.s32 $0xFFFFFFFE, s23;
	s24 =	sadd.s32 s3, s24;
	[tilespmem:s26+$0x70] =	vst.add.f32.msk $0xffff, v0  }
0x78: {  	[hbm4b:s24+s4] =	stream.linear.scatter [tilespmem:s11], [sflag:$0x3], $0x4000, $0x38;
	[tilespmem:$0x10000] =	vst v63  }
0x79: {  	s25 =	simm.s32 @!p0 $0x80;
	s24 =	sshll.u32 @!p0 s21, $0x8;
	_ =	swait.ge [sflag:s9], $0x4000  }
0x7a: {  	s29 =	sadd.s32 $0x82, s31;
	s24 =	sand.u32 @!p0 $0x3FFFFF00, s24;
	[sflag:s9] =	ssyncset.done $0x0  }
0x7b: {  	s26 =	simm.s32 @!p0 $0x8000;
	s24 =	sadd.s32 @!p0 $0x100, s24;
	[sflag:s9] =	ssyncadd.s32 $0xFFFFC000  }
0x7c: {  	[tilespmem:s26], [sflag:$0x1] =	stream.indirect.gather @!p0 [hbm4b:s2+s25], $0x80, s24, s25, $0xb8;
	[tilespmem:$0x10000] =	vst v63  }
0x7d: {  	p1 =	sgt.u32 s29, $0xC7;
	s24 =	simm.s32 $0xFFFF9B80;
	_ =	swait.ge [sflag:s14], $0x4000  }
0x7e: {  	s28 =	sadd.s32 s17, s22;
	s24 =	simm.s32 @!p1 $0xFFFFFF80;
	[sflag:s14] =	ssyncset.done $0x0  }
0x7f: {  	s30 =	sadd.s32 s24, s28;
	[sflag:s14] =	ssyncadd.s32 $0xFFFFC000  }
0x80: {  	v0 =	vld [tilespmem:s30+$0x1C00];
	_ =	sdelay $0x3  }
0x81: {  	s24 =	simm.s32 $0xC080  }
0x82: {  	[tilespmem:s24+$0xFFFFFF80] =	vst.add.f32.msk $0xffff, v0  }
0x83: {  	v0 =	vld [tilespmem:s30+$0x1C10];
	_ =	sdelay $0x4  }
0x84: {  	[tilespmem:s24+$0xFFFFFF90] =	vst.add.f32.msk $0xffff, v0  }
0x85: {  	v0 =	vld [tilespmem:s30+$0x1C20];
	_ =	sdelay $0x4  }
0x86: {  	[tilespmem:s24+$0xFFFFFFA0] =	vst.add.f32.msk $0xffff, v0  }
0x87: {  	v0 =	vld [tilespmem:s30+$0x1C30];
	_ =	sdelay $0x4  }
0x88: {  	[tilespmem:s24+$0xFFFFFFB0] =	vst.add.f32.msk $0xffff, v0  }
0x89: {  	v0 =	vld [tilespmem:s30+$0x1C40];
	_ =	sdelay $0x4  }
0x8a: {  	[tilespmem:s24+$0xFFFFFFC0] =	vst.add.f32.msk $0xffff, v0  }
0x8b: {  	v0 =	vld [tilespmem:s30+$0x1C50];
	_ =	sdelay $0x4  }
0x8c: {  	[tilespmem:s24+$0xFFFFFFD0] =	vst.add.f32.msk $0xffff, v0  }
0x8d: {  	v0 =	vld [tilespmem:s30+$0x1C60];
	_ =	sdelay $0x4  }
0x8e: {  	[tilespmem:s24+$0xFFFFFFE0] =	vst.add.f32.msk $0xffff, v0  }
0x8f: {  	v0 =	vld [tilespmem:s30+$0x1C70];
	_ =	sdelay $0x2  }
0x90: {  	s25 =	sadd.s32 $0x83, s31  }
0x91: {  	p1 =	sgt.u32 s25, $0xC7;
	s25 =	sadd.s32 $0xFFFF9C00, s28  }
0x92: {  	s28 =	smov.u32 @p1 s25;
	[tilespmem:s24+$0xFFFFFFF0] =	vst.add.f32.msk $0xffff, v0  }
0x93: {  	v0 =	vld [tilespmem:s28+$0x1C00];
	_ =	sdelay $0x4  }
0x94: {  	[tilespmem:s24+$0x0] =	vst.add.f32.msk $0xffff, v0  }
0x95: {  	v0 =	vld [tilespmem:s28+$0x1C10];
	_ =	sdelay $0x4  }
0x96: {  	[tilespmem:s24+$0x10] =	vst.add.f32.msk $0xffff, v0  }
0x97: {  	v0 =	vld [tilespmem:s28+$0x1C20];
	_ =	sdelay $0x4  }
0x98: {  	[tilespmem:s24+$0x20] =	vst.add.f32.msk $0xffff, v0  }
0x99: {  	v0 =	vld [tilespmem:s28+$0x1C30];
	_ =	sdelay $0x4  }
0x9a: {  	[tilespmem:s24+$0x30] =	vst.add.f32.msk $0xffff, v0  }
0x9b: {  	v0 =	vld [tilespmem:s28+$0x1C40];
	_ =	sdelay $0x4  }
0x9c: {  	[tilespmem:s24+$0x40] =	vst.add.f32.msk $0xffff, v0  }
0x9d: {  	v0 =	vld [tilespmem:s28+$0x1C50];
	_ =	sdelay $0x4  }
0x9e: {  	[tilespmem:s24+$0x50] =	vst.add.f32.msk $0xffff, v0  }
0x9f: {  	v0 =	vld [tilespmem:s28+$0x1C60];
	_ =	sdelay $0x4  }
0xa0: {  	s31 =	sshll.u32 s21, $0x1;
	[tilespmem:s24+$0x60] =	vst.add.f32.msk $0xffff, v0  }
0xa1: {  	s26 =	simm.s32 $0x0;
	s25 =	sor.u32 $0x1, s31;
	v0 =	vld [tilespmem:s28+$0x1C70];
	s28 =	smov.u32 s17  }
.LBB2_5:
0xa2: {  	s30 =	sadd.s32 s26, s23;
	s26 =	sadd.s32 $0x2, s26  }
0xa3: {  	s29 =	sadd.s32 $0x82, s30;
	p1 =	slt.u32 s26, $0x7E  }
0xa4: {  	s28 =	sadd.s32 $0x100, s28;
	s31 =	simm.s32 $0xFFFF9B80;
	p2 =	sgt.u32 s29, $0xC7  }
0xa5: {  	s29 =	sadd.s32 s28, s22;
	s31 =	simm.s32 @!p2 $0xFFFFFF80  }
0xa6: {  	s31 =	sadd.s32 s31, s29;
	[tilespmem:s24+$0x70] =	vst.add.f32.msk $0xffff, v0  }
0xa7: {  	v0 =	vld [tilespmem:s31+$0x1C00];
	_ =	sdelay $0x3  }
0xa8: {  	s24 =	sadd.s32 $0x100, s24  }
0xa9: {  	[tilespmem:s24+$0xFFFFFF80] =	vst.add.f32.msk $0xffff, v0  }
0xaa: {  	v0 =	vld [tilespmem:s31+$0x1C10];
	_ =	sdelay $0x4  }
0xab: {  	[tilespmem:s24+$0xFFFFFF90] =	vst.add.f32.msk $0xffff, v0  }
0xac: {  	v0 =	vld [tilespmem:s31+$0x1C20];
	_ =	sdelay $0x4  }
0xad: {  	[tilespmem:s24+$0xFFFFFFA0] =	vst.add.f32.msk $0xffff, v0  }
0xae: {  	v0 =	vld [tilespmem:s31+$0x1C30];
	_ =	sdelay $0x4  }
0xaf: {  	[tilespmem:s24+$0xFFFFFFB0] =	vst.add.f32.msk $0xffff, v0  }
0xb0: {  	v0 =	vld [tilespmem:s31+$0x1C40];
	_ =	sdelay $0x4  }
0xb1: {  	[tilespmem:s24+$0xFFFFFFC0] =	vst.add.f32.msk $0xffff, v0  }
0xb2: {  	v0 =	vld [tilespmem:s31+$0x1C50];
	_ =	sdelay $0x4  }
0xb3: {  	[tilespmem:s24+$0xFFFFFFD0] =	vst.add.f32.msk $0xffff, v0  }
0xb4: {  	v0 =	vld [tilespmem:s31+$0x1C60];
	_ =	sdelay $0x4  }
0xb5: {  	[tilespmem:s24+$0xFFFFFFE0] =	vst.add.f32.msk $0xffff, v0  }
0xb6: {  	v0 =	vld [tilespmem:s31+$0x1C70];
	_ =	sdelay $0x2  }
0xb7: {  	s30 =	sadd.s32 $0x83, s30  }
0xb8: {  	p2 =	sgt.u32 s30, $0xC7;
	s30 =	sadd.s32 $0xFFFF9C00, s29  }
0xb9: {  	s29 =	smov.u32 @p2 s30;
	[tilespmem:s24+$0xFFFFFFF0] =	vst.add.f32.msk $0xffff, v0  }
0xba: {  	v0 =	vld [tilespmem:s29+$0x1C00];
	_ =	sdelay $0x4  }
0xbb: {  	[tilespmem:s24+$0x0] =	vst.add.f32.msk $0xffff, v0  }
0xbc: {  	v0 =	vld [tilespmem:s29+$0x1C10];
	_ =	sdelay $0x4  }
0xbd: {  	[tilespmem:s24+$0x10] =	vst.add.f32.msk $0xffff, v0  }
0xbe: {  	v0 =	vld [tilespmem:s29+$0x1C20];
	_ =	sdelay $0x4  }
0xbf: {  	[tilespmem:s24+$0x20] =	vst.add.f32.msk $0xffff, v0  }
0xc0: {  	v0 =	vld [tilespmem:s29+$0x1C30];
	_ =	sdelay $0x4  }
0xc1: {  	[tilespmem:s24+$0x30] =	vst.add.f32.msk $0xffff, v0  }
0xc2: {  	v0 =	vld [tilespmem:s29+$0x1C40];
	_ =	sdelay $0x4  }
0xc3: {  	[tilespmem:s24+$0x40] =	vst.add.f32.msk $0xffff, v0  }
0xc4: {  	v0 =	vld [tilespmem:s29+$0x1C50];
	_ =	sdelay $0x4  }
0xc5: {  	[tilespmem:s24+$0x50] =	vst.add.f32.msk $0xffff, v0  }
0xc6: {  	v0 =	vld [tilespmem:s29+$0x1C60];
	_ =	sdelay $0x1  }
.Ltmp3:
0xc7: {  	(pc) =	sbr.rel @p1 .LBB2_5-.Ltmp3, $3  }
0xc8: {  	_ =	sdelay $0x1  }
0xc9: {  	[tilespmem:s24+$0x60] =	vst.add.f32.msk $0xffff, v0  }
0xca: {  	v0 =	vld [tilespmem:s29+$0x1C70]  }
0xcb: {  	_ = 	snop  }
0xcc: {  	s22 =	sshll.u32 s25, $0xE  }
0xcd: {  	s22 =	sadd.s32 s7, s22  }
0xce: {  	s22 =	sshrl.u32 s22, $0x3  }
.Ltmp4:
0xcf: {  	s22 =	sadd.s32 s3, s22;
	[tilespmem:s24+$0x70] =	vst.add.f32.msk $0xffff, v0;
	(pc) =	sbr.rel @p0 .LBB2_8-.Ltmp4, $4  }
0xd0: {  	[hbm4b:s22+s4] =	stream.linear.scatter [tilespmem:s12], [sflag:$0x3], $0x4000, $0x38;
	[tilespmem:$0x10000] =	vst v63  }
0xd1: {  	_ =	swait.ge [sflag:s9], $0x4000  }
0xd2: {  	[sflag:s9] =	ssyncset.done $0x0  }
0xd3: {  	[sflag:s9] =	ssyncadd.s32 $0xFFFFC000  }
.Ltmp5:
0xd4: {  	(pc) =	sbr.rel .LBB2_2-.Ltmp5, $4  }
0xd5: {  	s22 =	sshll.u32 s21, $0x8;
	s21 =	sadd.s32 $0x1, s21  }
0xd6: {  	s20 =	sadd.s32 $0x8000, s20;
	s19 =	sadd.s32 $0x100, s19;
	s22 =	sand.u32 $0x3FFFFF00, s22  }
0xd7: {  	s18 =	sadd.s32 $0x100, s18;
	s17 =	sadd.s32 $0x8000, s17;
	s22 =	sadd.s32 $0x180, s22  }
0xd8: {  	[tilespmem:s12], [sflag:$0x2] =	stream.indirect.gather [hbm4b:s2+s15], $0x80, s22, s15, $0xb8;
	[tilespmem:$0x10000] =	vst v63  }
.LBB2_9:
0xd9: {  	_ =	sfence.sel $0x180000  }
0xda: {  	[bflag:$0x0] =	sbarrier.arrive $0xFFFF  }
0xdb: {  	p0 =	sne.s32 s0, $0x0;
	_ =	strace $0x90000047  }
0xdc: {  	s0 =	sadd.s32 @!p0 $0x100000, s1;
	[bflag:$0x2] =	sbarrier.arrive $0xFFFF  }
0xdd: {  	[sflag:s0] =	ssyncadd.tile.s32 @!p0 $0x1;
	_ =	shalt  }
.Lfunc_end2:
_tile_overlayer_lowered:
.L_overlay_start_2:
0xde: {  	(tag) =	ssettag $0x2  }
0xdf: {  	s0 =	rddreg [dreg:$0x0];
	s2 =	stileid.u32  }
0xe0: {  	s1 =	rddreg [dreg:$0x1];
	p0 =	sne.s32 s2, $0x0  }
0xe1: {  	s3 =	rddreg [dreg:$0x2];
	[bflag:$0x3] =	sbarrier.arrive $0xFFFF;
	s2 =	simm.s32 @!p0 $0x1C03  }
0xe2: {  	[timem:s3], [sflag:s2] =	dma.local @!p0 [hbm:s0], s1  }
0xe3: {  	s0 =	simm.s32 @!p0 $0x3  }
0xe4: {  	_ =	swait.ge @!p0 [sflag:s0], s1  }
0xe5: {  	s1 =	ssub.s32 @!p0 $0x0, s1;
	[sflag:s0] =	ssyncset.done @!p0 $0x0  }
0xe6: {  	[sflag:s0] =	ssyncadd.s32 @!p0 s1  }
0xe7: {  	[bflag:$0x3] =	sbarrier.arrive $0xFFFF  }
0xe8: {  	_ =	shalt  }

</sc_bundles>
